<compile_context>
chip_gen: v7x
topology: tpu7x:2x2x1
jax: 0.10.2.dev20260603
libtpu: 0.0.44.dev20260713+nightly
codegen_flags: <defaults>
</compile_context>

<pallas_src>
import jax
import jax.numpy as jnp
from jax import lax
from jax.experimental import pallas as pl
from jax.experimental.pallas import tpu as pltpu
from jax.experimental.pallas import tpu_sc as plsc

N_NODES = 10000
N_PAD = 10240
N_EDGES = 320000
D = 128

NC = 2
NS = 16
NW = NC * NS
CHUNK = 128
N_ROWS = N_EDGES // CHUNK
ROWS_LO = N_ROWS // NW
N_HI = N_ROWS - ROWS_LO * NW
ROWS_PER_S = N_PAD // NS


def _sc_body(feat_hbm, ei_hbm, agg_out, deg_out,
             srcc0, srcc1, dstc0, dstc1, dstc2, dstc3, rows0, rows1,
             ones_v, degbuf_v,
             semg0, semg1, semis0, semis1, semid0, semid1, semid2, semid3,
             semS0, semS1, semD0, semD1, semD2, semD3, agg_sh, deg_sh):
    c = lax.axis_index("c")
    s = lax.axis_index("s")
    wid = s * NC + c
    base = (wid * ROWS_LO + jnp.minimum(wid, N_HI)) * CHUNK
    nrows = ROWS_LO + jnp.where(wid < N_HI, 1, 0)

    zeros16 = jnp.zeros((16,), jnp.float32)
    ones16 = jnp.ones((16,), jnp.float32)
    for i in range(CHUNK // 16):
        ones_v[pl.ds(i * 16, 16)] = ones16

    def zrow_body(r, carry):
        for j in range(D // 16):
            rows0[r, pl.ds(j * 16, 16)] = zeros16
        return carry

    lax.fori_loop(0, 128, zrow_body, 0)
    for i in range(ROWS_PER_S // 16):
        degbuf_v[pl.ds(i * 16, 16)] = zeros16

    for k in range(ROWS_PER_S // 128):
        pltpu.sync_copy(rows0, agg_sh.at[pl.ds(s * ROWS_PER_S + k * 128, 128)])
    pltpu.sync_copy(degbuf_v, deg_sh.at[pl.ds(s * ROWS_PER_S, ROWS_PER_S)])

    srccs = (srcc0, srcc1)
    dstcs = (dstc0, dstc1, dstc2, dstc3)
    rowss = (rows0, rows1)
    semiss = (semis0, semis1)
    semids = (semid0, semid1, semid2, semid3)
    semgs = (semg0, semg1)
    semSs = (semS0, semS1)
    semDs = (semD0, semD1, semD2, semD3)

    pltpu.sync_copy(ei_hbm.at[0, pl.ds(base, CHUNK)], srcc0)
    pltpu.sync_copy(ei_hbm.at[1, pl.ds(base, CHUNK)], dstc0)
    pltpu.async_copy(ei_hbm.at[0, pl.ds(base + CHUNK, CHUNK)], srcc1, semis1)
    pltpu.async_copy(ei_hbm.at[1, pl.ds(base + CHUNK, CHUNK)], dstc1, semid1)
    pltpu.async_copy(feat_hbm.at[srcc0.at[pl.ds(0, CHUNK // 2)]],
                     rows0.at[pl.ds(0, CHUNK // 2)], semg0)
    pltpu.async_copy(feat_hbm.at[srcc0.at[pl.ds(CHUNK // 2, CHUNK // 2)]],
                     rows0.at[pl.ds(CHUNK // 2, CHUNK // 2)], semg0)
    plsc.subcore_barrier()

    def emit(i, b):
        rb, ob = b % 2, (b + 1) % 2
        rows, semg = rowss[rb], semgs[rb]

        pltpu.make_async_copy(feat_hbm.at[srccs[rb]], rows, semg).wait()

        @pl.when(i + 1 < nrows)
        def _():
            pltpu.make_async_copy(
                ei_hbm.at[0, pl.ds(base + (i + 1) * CHUNK, CHUNK)],
                srccs[ob], semiss[ob]).wait()
            pltpu.make_async_copy(
                ei_hbm.at[1, pl.ds(base + (i + 1) * CHUNK, CHUNK)],
                dstcs[(b + 1) % 4], semids[(b + 1) % 4]).wait()

            @pl.when(i >= 1)
            def _():
                pltpu.make_async_copy(
                    rowss[ob], agg_sh.at[dstcs[(b + 3) % 4]],
                    semSs[ob]).wait()

            pltpu.async_copy(feat_hbm.at[srccs[ob]], rowss[ob], semgs[ob])

        pltpu.async_copy(rows, agg_sh.at[dstcs[b]], semSs[rb], add=True)
        pltpu.async_copy(ones_v, deg_sh.at[dstcs[b]], semDs[b], add=True)

        @pl.when(i + 2 < nrows)
        def _():
            @pl.when(i >= 2)
            def _():
                pltpu.make_async_copy(
                    ones_v, deg_sh.at[dstcs[(b + 2) % 4]],
                    semDs[(b + 2) % 4]).wait()

            pltpu.async_copy(
                ei_hbm.at[0, pl.ds(base + (i + 2) * CHUNK, CHUNK)],
                srccs[rb], semiss[rb])
            pltpu.async_copy(
                ei_hbm.at[1, pl.ds(base + (i + 2) * CHUNK, CHUNK)],
                dstcs[(b + 2) % 4], semids[(b + 2) % 4])

    def chunk_body(ko, carry):
        for b in range(4):
            emit(4 * ko + b, b)
        return carry

    lax.fori_loop(0, ROWS_LO // 4, chunk_body, 0)

    emit(76, 0)
    emit(77, 1)

    @pl.when(nrows > ROWS_LO)
    def _():
        emit(78, 2)

    pltpu.make_async_copy(rows0, agg_sh.at[dstc0], semS0).wait()
    pltpu.make_async_copy(rows1, agg_sh.at[dstc1], semS1).wait()
    pltpu.make_async_copy(ones_v, deg_sh.at[dstc0], semD0).wait()
    pltpu.make_async_copy(ones_v, deg_sh.at[dstc1], semD1).wait()
    pltpu.make_async_copy(ones_v, deg_sh.at[dstc2], semD2).wait()
    pltpu.make_async_copy(ones_v, deg_sh.at[dstc3], semD3).wait()
    plsc.subcore_barrier()

    for k in range(ROWS_PER_S // 128):
        r0 = s * ROWS_PER_S + k * 128
        pltpu.sync_copy(agg_sh.at[pl.ds(r0, 128)], rows0)
        pltpu.sync_copy(rows0, agg_out.at[pl.ds(c * N_PAD + r0, 128)])
    pltpu.sync_copy(deg_sh.at[pl.ds(s * ROWS_PER_S, ROWS_PER_S)], degbuf_v)
    pltpu.sync_copy(degbuf_v, deg_out.at[pl.ds(c * N_PAD + s * ROWS_PER_S, ROWS_PER_S)])


_sc_scatter = pl.kernel(
    _sc_body,
    out_type=[
        jax.ShapeDtypeStruct((NC * N_PAD, D), jnp.float32),
        jax.ShapeDtypeStruct((NC * N_PAD,), jnp.float32),
    ],
    mesh=plsc.VectorSubcoreMesh(core_axis_name="c", subcore_axis_name="s"),
    scratch_types=(
        [pltpu.VMEM((CHUNK,), jnp.int32)] * 6
        + [pltpu.VMEM((CHUNK, D), jnp.float32)] * 2
        + [pltpu.VMEM((CHUNK,), jnp.float32),
           pltpu.VMEM((ROWS_PER_S,), jnp.float32)]
        + [pltpu.SemaphoreType.DMA] * 14
        + [pltpu.VMEM_SHARED((N_PAD, D), jnp.float32),
           pltpu.VMEM_SHARED((N_PAD,), jnp.float32)]
    ),
)


def _tc_body(agg2, deg2, f, sn, w, out):
    a = agg2[...]
    d = deg2[...]
    dsum = d[0] + d[1]
    eye = (jax.lax.broadcasted_iota(jnp.int32, (128, 128), 0)
           == jax.lax.broadcasted_iota(jnp.int32, (128, 128), 1))
    eyef = jnp.where(eye, 1.0, 0.0)
    ones128 = jnp.ones((128, 128), jnp.float32)
    groups = []
    for g in range(8):
        row = jax.lax.broadcast_in_dim(dsum[g], (128, 128), (1,))
        groups.append(jnp.dot(row * eyef, ones128,
                              preferred_element_type=jnp.float32))
    deg = jax.lax.concatenate(groups, 0)
    agg = a[0] + a[1]
    mean = agg / jnp.maximum(deg, 1.0)
    h = jnp.where(deg > 0.0, mean, f[...])
    h = jnp.dot(h, w[...], preferred_element_type=jnp.float32)
    h = h * sn[...]
    out[...] = jnp.maximum(h, 0.0)


_BLK = 1024


def _tc_combine(agg2, deg2, feature, snorm_n, W):
    grid = ((N_NODES + _BLK - 1) // _BLK,)
    return pl.pallas_call(
        _tc_body,
        grid=grid,
        in_specs=[
            pl.BlockSpec((NC, _BLK, D), lambda i: (0, i, 0)),
            pl.BlockSpec((NC, _BLK // 128, 128), lambda i: (0, i, 0)),
            pl.BlockSpec((_BLK, D), lambda i: (i, 0)),
            pl.BlockSpec((_BLK, 1), lambda i: (i, 0)),
            pl.BlockSpec((D, D), lambda i: (0, 0)),
        ],
        out_specs=pl.BlockSpec((_BLK, D), lambda i: (i, 0)),
        out_shape=jax.ShapeDtypeStruct((N_NODES, D), jnp.float32),
    )(agg2, deg2, feature, snorm_n, W)


@jax.jit
def kernel(feature, edge_index, snorm_n, W):
    agg2, deg2 = _sc_scatter(feature, edge_index)
    return _tc_combine(agg2.reshape(NC, N_PAD, D),
                       deg2.reshape(NC, N_PAD // 128, 128),
                       feature, snorm_n, W)

# --- scband reference (transcript-rebuilt; emitter-appended) ---
"""Pipeline reference for scband-gcnlayer-69784628625697 (READ-ONLY COPY).

The authoritative reference and input builder live on the scoring server;
editing this copy changes nothing except your own understanding.
"""

import jax, jax.numpy as jnp
import numpy as np

N_NODES = 10000
N_EDGES = 320000
D_IN = 128
D_OUT = 128

def setup_inputs(seed: int = 0) -> dict:
    key = jax.random.key(seed)
    k1, k2, k3, k4 = jax.random.split(key, 4)
    feature = jax.random.normal(k1, (N_NODES, D_IN), dtype=jnp.float32)
    edge_index = jax.random.randint(k2, (2, N_EDGES), 0, N_NODES, dtype=jnp.int32)
    snorm_n = jax.random.uniform(k3, (N_NODES, 1), dtype=jnp.float32)
    # BayesianLinear(in_dim, out_dim, bias=False): use its mean weight as a dense linear weight
    W = jax.random.normal(k4, (D_IN, D_OUT), dtype=jnp.float32) * (1.0 / np.sqrt(D_IN))
    return {"feature": feature, "edge_index": edge_index, "snorm_n": snorm_n, "W": W}

def reference(feature, edge_index, snorm_n, W):
    src = edge_index[0]
    dst = edge_index[1]
    n = feature.shape[0]
    # message: copy_src(h) ; reduce: mean over mailbox per destination node
    msgs = jnp.take(feature, src, axis=0)
    agg = jax.ops.segment_sum(msgs, dst, num_segments=n)
    deg = jax.ops.segment_sum(jnp.ones((msgs.shape[0],), dtype=feature.dtype), dst, num_segments=n)
    mean_agg = agg / jnp.maximum(deg, 1.0)[:, None]
    # DGL update_all leaves nodes with no incoming messages unchanged
    h = jnp.where((deg > 0)[:, None], mean_agg, feature)
    # apply_nodes: linear (no bias)
    h = h @ W
    # graph_norm
    h = h * snorm_n
    # activation (relu); dropout p=0.0 is identity in eval
    h = jax.nn.relu(h)
    return h

if __name__ == "__main__":
    import jax
    _d = setup_inputs()
    print(jax.jit(kernel)(*tuple(_d.values())))

</pallas_src>

<mosaic_0001>
#map = affine_map<(d0, d1) -> (0, 0)>
#map1 = affine_map<(d0, d1) -> (0)>
module attributes {stable_mosaic.version = 14 : i64} {
  func.func @_sc_body(%arg0: i32, %arg1: i32, %arg2: memref<10000x128xf32, #tpu.memory_space<hbm>>, %arg3: memref<2x320000xi32, #tpu.memory_space<hbm>>, %arg4: memref<20480x128xf32, #tpu.memory_space<hbm>>, %arg5: memref<20480xf32, #tpu.memory_space<hbm>>, %arg6: memref<128xi32, #tpu.memory_space<vmem>>, %arg7: memref<128xi32, #tpu.memory_space<vmem>>, %arg8: memref<128xi32, #tpu.memory_space<vmem>>, %arg9: memref<128xi32, #tpu.memory_space<vmem>>, %arg10: memref<128xi32, #tpu.memory_space<vmem>>, %arg11: memref<128xi32, #tpu.memory_space<vmem>>, %arg12: memref<128x128xf32, #tpu.memory_space<vmem>>, %arg13: memref<128x128xf32, #tpu.memory_space<vmem>>, %arg14: memref<128xf32, #tpu.memory_space<vmem>>, %arg15: memref<640xf32, #tpu.memory_space<vmem>>, %arg16: memref<!tpu.dma_semaphore, #tpu.memory_space<semaphore_mem>>, %arg17: memref<!tpu.dma_semaphore, #tpu.memory_space<semaphore_mem>>, %arg18: memref<!tpu.dma_semaphore, #tpu.memory_space<semaphore_mem>>, %arg19: memref<!tpu.dma_semaphore, #tpu.memory_space<semaphore_mem>>, %arg20: memref<!tpu.dma_semaphore, #tpu.memory_space<semaphore_mem>>, %arg21: memref<!tpu.dma_semaphore, #tpu.memory_space<semaphore_mem>>, %arg22: memref<!tpu.dma_semaphore, #tpu.memory_space<semaphore_mem>>, %arg23: memref<!tpu.dma_semaphore, #tpu.memory_space<semaphore_mem>>, %arg24: memref<!tpu.dma_semaphore, #tpu.memory_space<semaphore_mem>>, %arg25: memref<!tpu.dma_semaphore, #tpu.memory_space<semaphore_mem>>, %arg26: memref<!tpu.dma_semaphore, #tpu.memory_space<semaphore_mem>>, %arg27: memref<!tpu.dma_semaphore, #tpu.memory_space<semaphore_mem>>, %arg28: memref<!tpu.dma_semaphore, #tpu.memory_space<semaphore_mem>>, %arg29: memref<!tpu.dma_semaphore, #tpu.memory_space<semaphore_mem>>, %arg30: memref<10240x128xf32, #tpu.memory_space<vmem_shared>>, %arg31: memref<10240xf32, #tpu.memory_space<vmem_shared>>) attributes {dimension_semantics = [#tpu.dimension_semantics<core_parallel>, #tpu.dimension_semantics<subcore_parallel>], iteration_bounds = array<i64: 2, 16>, scalar_prefetch = 0 : i64, scratch_operands = 26 : i64, tpu.core_type = #tpu.core_type<sc_vector_subcore>, window_params = [{transform_indices = #map}, {transform_indices = #map}, {transform_indices = #map}, {transform_indices = #map1}]} {
    %mul3A = arith.constant 2 : i32
    %mul3A_0 = arith.muli %arg1, %mul3A : i32
    %add3A = arith.addi %mul3A_0, %arg0 : i32
    %mul3A_1 = arith.constant 78 : i32
    %mul3A_2 = arith.muli %add3A, %mul3A_1 : i32
    %min3A = arith.constant 4 : i32
    %min3A_3 = arith.minsi %add3A, %min3A : i32
    %add3A_4 = arith.addi %mul3A_2, %min3A_3 : i32
    %mul3A_5 = arith.constant 128 : i32
    %mul3A_6 = arith.muli %add3A_4, %mul3A_5 : i32
    %lt3A = arith.constant 4 : i32
    %lt3A_7 = arith.cmpi slt, %add3A, %lt3A : i32
    %jit3A = arith.constant 1 : i32
    %jit3A_8 = arith.constant 0 : i32
    %select_n3A = arith.select %lt3A_7, %jit3A, %jit3A_8 : i32
    %add3A_9 = arith.constant 78 : i32
    %add3A_10 = arith.addi %add3A_9, %select_n3A : i32
    %broadcast_in_dim3A = arith.constant 0.000000e+00 : f32
    %broadcast_in_dim3A_11 = vector.broadcast %broadcast_in_dim3A : f32 to vector<16xf32>
    %broadcast_in_dim3A_12 = arith.constant 1.000000e+00 : f32
    %broadcast_in_dim3A_13 = vector.broadcast %broadcast_in_dim3A_12 : f32 to vector<16xf32>
    %swap3A = arith.constant 0 : index
    %swap3A_14 = tpu.vector_load %arg14[%swap3A] {strides = array<i32>} : memref<128xf32, #tpu.memory_space<vmem>>, vector<16xf32>,
    %swap3A_15 = vector.shape_cast %swap3A_14 : vector<16xf32> to vector<16xf32>
    %swap3A_16 = vector.shape_cast %broadcast_in_dim3A_13 : vector<16xf32> to vector<16xf32>
    tpu.vector_store %arg14[%swap3A], %swap3A_16 {strides = array<i32>} : memref<128xf32, #tpu.memory_space<vmem>>, vector<16xf32>,
    %swap3A_17 = arith.constant 16 : index
    %swap3A_18 = tpu.vector_load %arg14[%swap3A_17] {strides = array<i32>} : memref<128xf32, #tpu.memory_space<vmem>>, vector<16xf32>,
    %swap3A_19 = vector.shape_cast %swap3A_18 : vector<16xf32> to vector<16xf32>
    %swap3A_20 = vector.shape_cast %broadcast_in_dim3A_13 : vector<16xf32> to vector<16xf32>
    tpu.vector_store %arg14[%swap3A_17], %swap3A_20 {strides = array<i32>} : memref<128xf32, #tpu.memory_space<vmem>>, vector<16xf32>,
    %swap3A_21 = arith.constant 32 : index
    %swap3A_22 = tpu.vector_load %arg14[%swap3A_21] {strides = array<i32>} : memref<128xf32, #tpu.memory_space<vmem>>, vector<16xf32>,
    %swap3A_23 = vector.shape_cast %swap3A_22 : vector<16xf32> to vector<16xf32>
    %swap3A_24 = vector.shape_cast %broadcast_in_dim3A_13 : vector<16xf32> to vector<16xf32>
    tpu.vector_store %arg14[%swap3A_21], %swap3A_24 {strides = array<i32>} : memref<128xf32, #tpu.memory_space<vmem>>, vector<16xf32>,
    %swap3A_25 = arith.constant 48 : index
    %swap3A_26 = tpu.vector_load %arg14[%swap3A_25] {strides = array<i32>} : memref<128xf32, #tpu.memory_space<vmem>>, vector<16xf32>,
    %swap3A_27 = vector.shape_cast %swap3A_26 : vector<16xf32> to vector<16xf32>
    %swap3A_28 = vector.shape_cast %broadcast_in_dim3A_13 : vector<16xf32> to vector<16xf32>
    tpu.vector_store %arg14[%swap3A_25], %swap3A_28 {strides = array<i32>} : memref<128xf32, #tpu.memory_space<vmem>>, vector<16xf32>,
    %swap3A_29 = arith.constant 64 : index
    %swap3A_30 = tpu.vector_load %arg14[%swap3A_29] {strides = array<i32>} : memref<128xf32, #tpu.memory_space<vmem>>, vector<16xf32>,
    %swap3A_31 = vector.shape_cast %swap3A_30 : vector<16xf32> to vector<16xf32>
    %swap3A_32 = vector.shape_cast %broadcast_in_dim3A_13 : vector<16xf32> to vector<16xf32>
    tpu.vector_store %arg14[%swap3A_29], %swap3A_32 {strides = array<i32>} : memref<128xf32, #tpu.memory_space<vmem>>, vector<16xf32>,
    %swap3A_33 = arith.constant 80 : index
    %swap3A_34 = tpu.vector_load %arg14[%swap3A_33] {strides = array<i32>} : memref<128xf32, #tpu.memory_space<vmem>>, vector<16xf32>,
    %swap3A_35 = vector.shape_cast %swap3A_34 : vector<16xf32> to vector<16xf32>
    %swap3A_36 = vector.shape_cast %broadcast_in_dim3A_13 : vector<16xf32> to vector<16xf32>
    tpu.vector_store %arg14[%swap3A_33], %swap3A_36 {strides = array<i32>} : memref<128xf32, #tpu.memory_space<vmem>>, vector<16xf32>,
    %swap3A_37 = arith.constant 96 : index
    %swap3A_38 = tpu.vector_load %arg14[%swap3A_37] {strides = array<i32>} : memref<128xf32, #tpu.memory_space<vmem>>, vector<16xf32>,
    %swap3A_39 = vector.shape_cast %swap3A_38 : vector<16xf32> to vector<16xf32>
    %swap3A_40 = vector.shape_cast %broadcast_in_dim3A_13 : vector<16xf32> to vector<16xf32>
    tpu.vector_store %arg14[%swap3A_37], %swap3A_40 {strides = array<i32>} : memref<128xf32, #tpu.memory_space<vmem>>, vector<16xf32>,
    %swap3A_41 = arith.constant 112 : index
    %swap3A_42 = tpu.vector_load %arg14[%swap3A_41] {strides = array<i32>} : memref<128xf32, #tpu.memory_space<vmem>>, vector<16xf32>,
    %swap3A_43 = vector.shape_cast %swap3A_42 : vector<16xf32> to vector<16xf32>
    %swap3A_44 = vector.shape_cast %broadcast_in_dim3A_13 : vector<16xf32> to vector<16xf32>
    tpu.vector_store %arg14[%swap3A_41], %swap3A_44 {strides = array<i32>} : memref<128xf32, #tpu.memory_space<vmem>>, vector<16xf32>,
    %scan3A = arith.constant 0 : i32
    %scan3A_45 = arith.constant 0 : i32
    %scan3A_46 = arith.constant 128 : i32
    %scan3A_47 = arith.addi %scan3A_45, %scan3A_46 : i32
    %scan3A_48 = arith.constant 1 : i32
    scf.for %scan3A_362 = %scan3A_45 to %scan3A_47 step %scan3A_48  : i32 {
      %swap3A_363 = arith.index_cast %scan3A_362 : i32 to index
      %swap3A_364 = arith.constant 0 : index
      %swap3A_365 = tpu.vector_load %arg12[%swap3A_363, %swap3A_364] {strides = array<i32>} : memref<128x128xf32, #tpu.memory_space<vmem>>, vector<1x16xf32>,
      %swap3A_366 = vector.shape_cast %swap3A_365 : vector<1x16xf32> to vector<16xf32>
      %swap3A_367 = vector.shape_cast %broadcast_in_dim3A_11 : vector<16xf32> to vector<1x16xf32>
      tpu.vector_store %arg12[%swap3A_363, %swap3A_364], %swap3A_367 {strides = array<i32>} : memref<128x128xf32, #tpu.memory_space<vmem>>, vector<1x16xf32>,
      %swap3A_368 = arith.index_cast %scan3A_362 : i32 to index
      %swap3A_369 = arith.constant 16 : index
      %swap3A_370 = tpu.vector_load %arg12[%swap3A_368, %swap3A_369] {strides = array<i32>} : memref<128x128xf32, #tpu.memory_space<vmem>>, vector<1x16xf32>,
      %swap3A_371 = vector.shape_cast %swap3A_370 : vector<1x16xf32> to vector<16xf32>
      %swap3A_372 = vector.shape_cast %broadcast_in_dim3A_11 : vector<16xf32> to vector<1x16xf32>
      tpu.vector_store %arg12[%swap3A_368, %swap3A_369], %swap3A_372 {strides = array<i32>} : memref<128x128xf32, #tpu.memory_space<vmem>>, vector<1x16xf32>,
      %swap3A_373 = arith.index_cast %scan3A_362 : i32 to index
      %swap3A_374 = arith.constant 32 : index
      %swap3A_375 = tpu.vector_load %arg12[%swap3A_373, %swap3A_374] {strides = array<i32>} : memref<128x128xf32, #tpu.memory_space<vmem>>, vector<1x16xf32>,
      %swap3A_376 = vector.shape_cast %swap3A_375 : vector<1x16xf32> to vector<16xf32>
      %swap3A_377 = vector.shape_cast %broadcast_in_dim3A_11 : vector<16xf32> to vector<1x16xf32>
      tpu.vector_store %arg12[%swap3A_373, %swap3A_374], %swap3A_377 {strides = array<i32>} : memref<128x128xf32, #tpu.memory_space<vmem>>, vector<1x16xf32>,
      %swap3A_378 = arith.index_cast %scan3A_362 : i32 to index
      %swap3A_379 = arith.constant 48 : index
      %swap3A_380 = tpu.vector_load %arg12[%swap3A_378, %swap3A_379] {strides = array<i32>} : memref<128x128xf32, #tpu.memory_space<vmem>>, vector<1x16xf32>,
      %swap3A_381 = vector.shape_cast %swap3A_380 : vector<1x16xf32> to vector<16xf32>
      %swap3A_382 = vector.shape_cast %broadcast_in_dim3A_11 : vector<16xf32> to vector<1x16xf32>
      tpu.vector_store %arg12[%swap3A_378, %swap3A_379], %swap3A_382 {strides = array<i32>} : memref<128x128xf32, #tpu.memory_space<vmem>>, vector<1x16xf32>,
      %swap3A_383 = arith.index_cast %scan3A_362 : i32 to index
      %swap3A_384 = arith.constant 64 : index
      %swap3A_385 = tpu.vector_load %arg12[%swap3A_383, %swap3A_384] {strides = array<i32>} : memref<128x128xf32, #tpu.memory_space<vmem>>, vector<1x16xf32>,
      %swap3A_386 = vector.shape_cast %swap3A_385 : vector<1x16xf32> to vector<16xf32>
      %swap3A_387 = vector.shape_cast %broadcast_in_dim3A_11 : vector<16xf32> to vector<1x16xf32>
      tpu.vector_store %arg12[%swap3A_383, %swap3A_384], %swap3A_387 {strides = array<i32>} : memref<128x128xf32, #tpu.memory_space<vmem>>, vector<1x16xf32>,
      %swap3A_388 = arith.index_cast %scan3A_362 : i32 to index
      %swap3A_389 = arith.constant 80 : index
      %swap3A_390 = tpu.vector_load %arg12[%swap3A_388, %swap3A_389] {strides = array<i32>} : memref<128x128xf32, #tpu.memory_space<vmem>>, vector<1x16xf32>,
      %swap3A_391 = vector.shape_cast %swap3A_390 : vector<1x16xf32> to vector<16xf32>
      %swap3A_392 = vector.shape_cast %broadcast_in_dim3A_11 : vector<16xf32> to vector<1x16xf32>
      tpu.vector_store %arg12[%swap3A_388, %swap3A_389], %swap3A_392 {strides = array<i32>} : memref<128x128xf32, #tpu.memory_space<vmem>>, vector<1x16xf32>,
      %swap3A_393 = arith.index_cast %scan3A_362 : i32 to index
      %swap3A_394 = arith.constant 96 : index
      %swap3A_395 = tpu.vector_load %arg12[%swap3A_393, %swap3A_394] {strides = array<i32>} : memref<128x128xf32, #tpu.memory_space<vmem>>, vector<1x16xf32>,
      %swap3A_396 = vector.shape_cast %swap3A_395 : vector<1x16xf32> to vector<16xf32>
      %swap3A_397 = vector.shape_cast %broadcast_in_dim3A_11 : vector<16xf32> to vector<1x16xf32>
      tpu.vector_store %arg12[%swap3A_393, %swap3A_394], %swap3A_397 {strides = array<i32>} : memref<128x128xf32, #tpu.memory_space<vmem>>, vector<1x16xf32>,
      %swap3A_398 = arith.index_cast %scan3A_362 : i32 to index
      %swap3A_399 = arith.constant 112 : index
      %swap3A_400 = tpu.vector_load %arg12[%swap3A_398, %swap3A_399] {strides = array<i32>} : memref<128x128xf32, #tpu.memory_space<vmem>>, vector<1x16xf32>,
      %swap3A_401 = vector.shape_cast %swap3A_400 : vector<1x16xf32> to vector<16xf32>
      %swap3A_402 = vector.shape_cast %broadcast_in_dim3A_11 : vector<16xf32> to vector<1x16xf32>
      tpu.vector_store %arg12[%swap3A_398, %swap3A_399], %swap3A_402 {strides = array<i32>} : memref<128x128xf32, #tpu.memory_space<vmem>>, vector<1x16xf32>,
    }
    %scan3A_49 = arith.constant 128 : i32
    %swap3A_50 = arith.constant 0 : index
    %swap3A_51 = tpu.vector_load %arg15[%swap3A_50] {strides = array<i32>} : memref<640xf32, #tpu.memory_space<vmem>>, vector<16xf32>,
    %swap3A_52 = vector.shape_cast %swap3A_51 : vector<16xf32> to vector<16xf32>
    %swap3A_53 = vector.shape_cast %broadcast_in_dim3A_11 : vector<16xf32> to vector<16xf32>
    tpu.vector_store %arg15[%swap3A_50], %swap3A_53 {strides = array<i32>} : memref<640xf32, #tpu.memory_space<vmem>>, vector<16xf32>,
    %swap3A_54 = arith.constant 16 : index
    %swap3A_55 = tpu.vector_load %arg15[%swap3A_54] {strides = array<i32>} : memref<640xf32, #tpu.memory_space<vmem>>, vector<16xf32>,
    %swap3A_56 = vector.shape_cast %swap3A_55 : vector<16xf32> to vector<16xf32>
    %swap3A_57 = vector.shape_cast %broadcast_in_dim3A_11 : vector<16xf32> to vector<16xf32>
    tpu.vector_store %arg15[%swap3A_54], %swap3A_57 {strides = array<i32>} : memref<640xf32, #tpu.memory_space<vmem>>, vector<16xf32>,
    %swap3A_58 = arith.constant 32 : index
    %swap3A_59 = tpu.vector_load %arg15[%swap3A_58] {strides = array<i32>} : memref<640xf32, #tpu.memory_space<vmem>>, vector<16xf32>,
    %swap3A_60 = vector.shape_cast %swap3A_59 : vector<16xf32> to vector<16xf32>
    %swap3A_61 = vector.shape_cast %broadcast_in_dim3A_11 : vector<16xf32> to vector<16xf32>
    tpu.vector_store %arg15[%swap3A_58], %swap3A_61 {strides = array<i32>} : memref<640xf32, #tpu.memory_space<vmem>>, vector<16xf32>,
    %swap3A_62 = arith.constant 48 : index
    %swap3A_63 = tpu.vector_load %arg15[%swap3A_62] {strides = array<i32>} : memref<640xf32, #tpu.memory_space<vmem>>, vector<16xf32>,
    %swap3A_64 = vector.shape_cast %swap3A_63 : vector<16xf32> to vector<16xf32>
    %swap3A_65 = vector.shape_cast %broadcast_in_dim3A_11 : vector<16xf32> to vector<16xf32>
    tpu.vector_store %arg15[%swap3A_62], %swap3A_65 {strides = array<i32>} : memref<640xf32, #tpu.memory_space<vmem>>, vector<16xf32>,
    %swap3A_66 = arith.constant 64 : index
    %swap3A_67 = tpu.vector_load %arg15[%swap3A_66] {strides = array<i32>} : memref<640xf32, #tpu.memory_space<vmem>>, vector<16xf32>,
    %swap3A_68 = vector.shape_cast %swap3A_67 : vector<16xf32> to vector<16xf32>
    %swap3A_69 = vector.shape_cast %broadcast_in_dim3A_11 : vector<16xf32> to vector<16xf32>
    tpu.vector_store %arg15[%swap3A_66], %swap3A_69 {strides = array<i32>} : memref<640xf32, #tpu.memory_space<vmem>>, vector<16xf32>,
    %swap3A_70 = arith.constant 80 : index
    %swap3A_71 = tpu.vector_load %arg15[%swap3A_70] {strides = array<i32>} : memref<640xf32, #tpu.memory_space<vmem>>, vector<16xf32>,
    %swap3A_72 = vector.shape_cast %swap3A_71 : vector<16xf32> to vector<16xf32>
    %swap3A_73 = vector.shape_cast %broadcast_in_dim3A_11 : vector<16xf32> to vector<16xf32>
    tpu.vector_store %arg15[%swap3A_70], %swap3A_73 {strides = array<i32>} : memref<640xf32, #tpu.memory_space<vmem>>, vector<16xf32>,
    %swap3A_74 = arith.constant 96 : index
    %swap3A_75 = tpu.vector_load %arg15[%swap3A_74] {strides = array<i32>} : memref<640xf32, #tpu.memory_space<vmem>>, vector<16xf32>,
    %swap3A_76 = vector.shape_cast %swap3A_75 : vector<16xf32> to vector<16xf32>
    %swap3A_77 = vector.shape_cast %broadcast_in_dim3A_11 : vector<16xf32> to vector<16xf32>
    tpu.vector_store %arg15[%swap3A_74], %swap3A_77 {strides = array<i32>} : memref<640xf32, #tpu.memory_space<vmem>>, vector<16xf32>,
    %swap3A_78 = arith.constant 112 : index
    %swap3A_79 = tpu.vector_load %arg15[%swap3A_78] {strides = array<i32>} : memref<640xf32, #tpu.memory_space<vmem>>, vector<16xf32>,
    %swap3A_80 = vector.shape_cast %swap3A_79 : vector<16xf32> to vector<16xf32>
    %swap3A_81 = vector.shape_cast %broadcast_in_dim3A_11 : vector<16xf32> to vector<16xf32>
    tpu.vector_store %arg15[%swap3A_78], %swap3A_81 {strides = array<i32>} : memref<640xf32, #tpu.memory_space<vmem>>, vector<16xf32>,
    %swap3A_82 = arith.constant 128 : index
    %swap3A_83 = tpu.vector_load %arg15[%swap3A_82] {strides = array<i32>} : memref<640xf32, #tpu.memory_space<vmem>>, vector<16xf32>,
    %swap3A_84 = vector.shape_cast %swap3A_83 : vector<16xf32> to vector<16xf32>
    %swap3A_85 = vector.shape_cast %broadcast_in_dim3A_11 : vector<16xf32> to vector<16xf32>
    tpu.vector_store %arg15[%swap3A_82], %swap3A_85 {strides = array<i32>} : memref<640xf32, #tpu.memory_space<vmem>>, vector<16xf32>,
    %swap3A_86 = arith.constant 144 : index
    %swap3A_87 = tpu.vector_load %arg15[%swap3A_86] {strides = array<i32>} : memref<640xf32, #tpu.memory_space<vmem>>, vector<16xf32>,
    %swap3A_88 = vector.shape_cast %swap3A_87 : vector<16xf32> to vector<16xf32>
    %swap3A_89 = vector.shape_cast %broadcast_in_dim3A_11 : vector<16xf32> to vector<16xf32>
    tpu.vector_store %arg15[%swap3A_86], %swap3A_89 {strides = array<i32>} : memref<640xf32, #tpu.memory_space<vmem>>, vector<16xf32>,
    %swap3A_90 = arith.constant 160 : index
    %swap3A_91 = tpu.vector_load %arg15[%swap3A_90] {strides = array<i32>} : memref<640xf32, #tpu.memory_space<vmem>>, vector<16xf32>,
    %swap3A_92 = vector.shape_cast %swap3A_91 : vector<16xf32> to vector<16xf32>
    %swap3A_93 = vector.shape_cast %broadcast_in_dim3A_11 : vector<16xf32> to vector<16xf32>
    tpu.vector_store %arg15[%swap3A_90], %swap3A_93 {strides = array<i32>} : memref<640xf32, #tpu.memory_space<vmem>>, vector<16xf32>,
    %swap3A_94 = arith.constant 176 : index
    %swap3A_95 = tpu.vector_load %arg15[%swap3A_94] {strides = array<i32>} : memref<640xf32, #tpu.memory_space<vmem>>, vector<16xf32>,
    %swap3A_96 = vector.shape_cast %swap3A_95 : vector<16xf32> to vector<16xf32>
    %swap3A_97 = vector.shape_cast %broadcast_in_dim3A_11 : vector<16xf32> to vector<16xf32>
    tpu.vector_store %arg15[%swap3A_94], %swap3A_97 {strides = array<i32>} : memref<640xf32, #tpu.memory_space<vmem>>, vector<16xf32>,
    %swap3A_98 = arith.constant 192 : index
    %swap3A_99 = tpu.vector_load %arg15[%swap3A_98] {strides = array<i32>} : memref<640xf32, #tpu.memory_space<vmem>>, vector<16xf32>,
    %swap3A_100 = vector.shape_cast %swap3A_99 : vector<16xf32> to vector<16xf32>
    %swap3A_101 = vector.shape_cast %broadcast_in_dim3A_11 : vector<16xf32> to vector<16xf32>
    tpu.vector_store %arg15[%swap3A_98], %swap3A_101 {strides = array<i32>} : memref<640xf32, #tpu.memory_space<vmem>>, vector<16xf32>,
    %swap3A_102 = arith.constant 208 : index
    %swap3A_103 = tpu.vector_load %arg15[%swap3A_102] {strides = array<i32>} : memref<640xf32, #tpu.memory_space<vmem>>, vector<16xf32>,
    %swap3A_104 = vector.shape_cast %swap3A_103 : vector<16xf32> to vector<16xf32>
    %swap3A_105 = vector.shape_cast %broadcast_in_dim3A_11 : vector<16xf32> to vector<16xf32>
    tpu.vector_store %arg15[%swap3A_102], %swap3A_105 {strides = array<i32>} : memref<640xf32, #tpu.memory_space<vmem>>, vector<16xf32>,
    %swap3A_106 = arith.constant 224 : index
    %swap3A_107 = tpu.vector_load %arg15[%swap3A_106] {strides = array<i32>} : memref<640xf32, #tpu.memory_space<vmem>>, vector<16xf32>,
    %swap3A_108 = vector.shape_cast %swap3A_107 : vector<16xf32> to vector<16xf32>
    %swap3A_109 = vector.shape_cast %broadcast_in_dim3A_11 : vector<16xf32> to vector<16xf32>
    tpu.vector_store %arg15[%swap3A_106], %swap3A_109 {strides = array<i32>} : memref<640xf32, #tpu.memory_space<vmem>>, vector<16xf32>,
    %swap3A_110 = arith.constant 240 : index
    %swap3A_111 = tpu.vector_load %arg15[%swap3A_110] {strides = array<i32>} : memref<640xf32, #tpu.memory_space<vmem>>, vector<16xf32>,
    %swap3A_112 = vector.shape_cast %swap3A_111 : vector<16xf32> to vector<16xf32>
    %swap3A_113 = vector.shape_cast %broadcast_in_dim3A_11 : vector<16xf32> to vector<16xf32>
    tpu.vector_store %arg15[%swap3A_110], %swap3A_113 {strides = array<i32>} : memref<640xf32, #tpu.memory_space<vmem>>, vector<16xf32>,
    %swap3A_114 = arith.constant 256 : index
    %swap3A_115 = tpu.vector_load %arg15[%swap3A_114] {strides = array<i32>} : memref<640xf32, #tpu.memory_space<vmem>>, vector<16xf32>,
    %swap3A_116 = vector.shape_cast %swap3A_115 : vector<16xf32> to vector<16xf32>
    %swap3A_117 = vector.shape_cast %broadcast_in_dim3A_11 : vector<16xf32> to vector<16xf32>
    tpu.vector_store %arg15[%swap3A_114], %swap3A_117 {strides = array<i32>} : memref<640xf32, #tpu.memory_space<vmem>>, vector<16xf32>,
    %swap3A_118 = arith.constant 272 : index
    %swap3A_119 = tpu.vector_load %arg15[%swap3A_118] {strides = array<i32>} : memref<640xf32, #tpu.memory_space<vmem>>, vector<16xf32>,
    %swap3A_120 = vector.shape_cast %swap3A_119 : vector<16xf32> to vector<16xf32>
    %swap3A_121 = vector.shape_cast %broadcast_in_dim3A_11 : vector<16xf32> to vector<16xf32>
    tpu.vector_store %arg15[%swap3A_118], %swap3A_121 {strides = array<i32>} : memref<640xf32, #tpu.memory_space<vmem>>, vector<16xf32>,
    %swap3A_122 = arith.constant 288 : index
    %swap3A_123 = tpu.vector_load %arg15[%swap3A_122] {strides = array<i32>} : memref<640xf32, #tpu.memory_space<vmem>>, vector<16xf32>,
    %swap3A_124 = vector.shape_cast %swap3A_123 : vector<16xf32> to vector<16xf32>
    %swap3A_125 = vector.shape_cast %broadcast_in_dim3A_11 : vector<16xf32> to vector<16xf32>
    tpu.vector_store %arg15[%swap3A_122], %swap3A_125 {strides = array<i32>} : memref<640xf32, #tpu.memory_space<vmem>>, vector<16xf32>,
    %swap3A_126 = arith.constant 304 : index
    %swap3A_127 = tpu.vector_load %arg15[%swap3A_126] {strides = array<i32>} : memref<640xf32, #tpu.memory_space<vmem>>, vector<16xf32>,
    %swap3A_128 = vector.shape_cast %swap3A_127 : vector<16xf32> to vector<16xf32>
    %swap3A_129 = vector.shape_cast %broadcast_in_dim3A_11 : vector<16xf32> to vector<16xf32>
    tpu.vector_store %arg15[%swap3A_126], %swap3A_129 {strides = array<i32>} : memref<640xf32, #tpu.memory_space<vmem>>, vector<16xf32>,
    %swap3A_130 = arith.constant 320 : index
    %swap3A_131 = tpu.vector_load %arg15[%swap3A_130] {strides = array<i32>} : memref<640xf32, #tpu.memory_space<vmem>>, vector<16xf32>,
    %swap3A_132 = vector.shape_cast %swap3A_131 : vector<16xf32> to vector<16xf32>
    %swap3A_133 = vector.shape_cast %broadcast_in_dim3A_11 : vector<16xf32> to vector<16xf32>
    tpu.vector_store %arg15[%swap3A_130], %swap3A_133 {strides = array<i32>} : memref<640xf32, #tpu.memory_space<vmem>>, vector<16xf32>,
    %swap3A_134 = arith.constant 336 : index
    %swap3A_135 = tpu.vector_load %arg15[%swap3A_134] {strides = array<i32>} : memref<640xf32, #tpu.memory_space<vmem>>, vector<16xf32>,
    %swap3A_136 = vector.shape_cast %swap3A_135 : vector<16xf32> to vector<16xf32>
    %swap3A_137 = vector.shape_cast %broadcast_in_dim3A_11 : vector<16xf32> to vector<16xf32>
    tpu.vector_store %arg15[%swap3A_134], %swap3A_137 {strides = array<i32>} : memref<640xf32, #tpu.memory_space<vmem>>, vector<16xf32>,
    %swap3A_138 = arith.constant 352 : index
    %swap3A_139 = tpu.vector_load %arg15[%swap3A_138] {strides = array<i32>} : memref<640xf32, #tpu.memory_space<vmem>>, vector<16xf32>,
    %swap3A_140 = vector.shape_cast %swap3A_139 : vector<16xf32> to vector<16xf32>
    %swap3A_141 = vector.shape_cast %broadcast_in_dim3A_11 : vector<16xf32> to vector<16xf32>
    tpu.vector_store %arg15[%swap3A_138], %swap3A_141 {strides = array<i32>} : memref<640xf32, #tpu.memory_space<vmem>>, vector<16xf32>,
    %swap3A_142 = arith.constant 368 : index
    %swap3A_143 = tpu.vector_load %arg15[%swap3A_142] {strides = array<i32>} : memref<640xf32, #tpu.memory_space<vmem>>, vector<16xf32>,
    %swap3A_144 = vector.shape_cast %swap3A_143 : vector<16xf32> to vector<16xf32>
    %swap3A_145 = vector.shape_cast %broadcast_in_dim3A_11 : vector<16xf32> to vector<16xf32>
    tpu.vector_store %arg15[%swap3A_142], %swap3A_145 {strides = array<i32>} : memref<640xf32, #tpu.memory_space<vmem>>, vector<16xf32>,
    %swap3A_146 = arith.constant 384 : index
    %swap3A_147 = tpu.vector_load %arg15[%swap3A_146] {strides = array<i32>} : memref<640xf32, #tpu.memory_space<vmem>>, vector<16xf32>,
    %swap3A_148 = vector.shape_cast %swap3A_147 : vector<16xf32> to vector<16xf32>
    %swap3A_149 = vector.shape_cast %broadcast_in_dim3A_11 : vector<16xf32> to vector<16xf32>
    tpu.vector_store %arg15[%swap3A_146], %swap3A_149 {strides = array<i32>} : memref<640xf32, #tpu.memory_space<vmem>>, vector<16xf32>,
    %swap3A_150 = arith.constant 400 : index
    %swap3A_151 = tpu.vector_load %arg15[%swap3A_150] {strides = array<i32>} : memref<640xf32, #tpu.memory_space<vmem>>, vector<16xf32>,
    %swap3A_152 = vector.shape_cast %swap3A_151 : vector<16xf32> to vector<16xf32>
    %swap3A_153 = vector.shape_cast %broadcast_in_dim3A_11 : vector<16xf32> to vector<16xf32>
    tpu.vector_store %arg15[%swap3A_150], %swap3A_153 {strides = array<i32>} : memref<640xf32, #tpu.memory_space<vmem>>, vector<16xf32>,
    %swap3A_154 = arith.constant 416 : index
    %swap3A_155 = tpu.vector_load %arg15[%swap3A_154] {strides = array<i32>} : memref<640xf32, #tpu.memory_space<vmem>>, vector<16xf32>,
    %swap3A_156 = vector.shape_cast %swap3A_155 : vector<16xf32> to vector<16xf32>
    %swap3A_157 = vector.shape_cast %broadcast_in_dim3A_11 : vector<16xf32> to vector<16xf32>
    tpu.vector_store %arg15[%swap3A_154], %swap3A_157 {strides = array<i32>} : memref<640xf32, #tpu.memory_space<vmem>>, vector<16xf32>,
    %swap3A_158 = arith.constant 432 : index
    %swap3A_159 = tpu.vector_load %arg15[%swap3A_158] {strides = array<i32>} : memref<640xf32, #tpu.memory_space<vmem>>, vector<16xf32>,
    %swap3A_160 = vector.shape_cast %swap3A_159 : vector<16xf32> to vector<16xf32>
    %swap3A_161 = vector.shape_cast %broadcast_in_dim3A_11 : vector<16xf32> to vector<16xf32>
    tpu.vector_store %arg15[%swap3A_158], %swap3A_161 {strides = array<i32>} : memref<640xf32, #tpu.memory_space<vmem>>, vector<16xf32>,
    %swap3A_162 = arith.constant 448 : index
    %swap3A_163 = tpu.vector_load %arg15[%swap3A_162] {strides = array<i32>} : memref<640xf32, #tpu.memory_space<vmem>>, vector<16xf32>,
    %swap3A_164 = vector.shape_cast %swap3A_163 : vector<16xf32> to vector<16xf32>
    %swap3A_165 = vector.shape_cast %broadcast_in_dim3A_11 : vector<16xf32> to vector<16xf32>
    tpu.vector_store %arg15[%swap3A_162], %swap3A_165 {strides = array<i32>} : memref<640xf32, #tpu.memory_space<vmem>>, vector<16xf32>,
    %swap3A_166 = arith.constant 464 : index
    %swap3A_167 = tpu.vector_load %arg15[%swap3A_166] {strides = array<i32>} : memref<640xf32, #tpu.memory_space<vmem>>, vector<16xf32>,
    %swap3A_168 = vector.shape_cast %swap3A_167 : vector<16xf32> to vector<16xf32>
    %swap3A_169 = vector.shape_cast %broadcast_in_dim3A_11 : vector<16xf32> to vector<16xf32>
    tpu.vector_store %arg15[%swap3A_166], %swap3A_169 {strides = array<i32>} : memref<640xf32, #tpu.memory_space<vmem>>, vector<16xf32>,
    %swap3A_170 = arith.constant 480 : index
    %swap3A_171 = tpu.vector_load %arg15[%swap3A_170] {strides = array<i32>} : memref<640xf32, #tpu.memory_space<vmem>>, vector<16xf32>,
    %swap3A_172 = vector.shape_cast %swap3A_171 : vector<16xf32> to vector<16xf32>
    %swap3A_173 = vector.shape_cast %broadcast_in_dim3A_11 : vector<16xf32> to vector<16xf32>
    tpu.vector_store %arg15[%swap3A_170], %swap3A_173 {strides = array<i32>} : memref<640xf32, #tpu.memory_space<vmem>>, vector<16xf32>,
    %swap3A_174 = arith.constant 496 : index
    %swap3A_175 = tpu.vector_load %arg15[%swap3A_174] {strides = array<i32>} : memref<640xf32, #tpu.memory_space<vmem>>, vector<16xf32>,
    %swap3A_176 = vector.shape_cast %swap3A_175 : vector<16xf32> to vector<16xf32>
    %swap3A_177 = vector.shape_cast %broadcast_in_dim3A_11 : vector<16xf32> to vector<16xf32>
    tpu.vector_store %arg15[%swap3A_174], %swap3A_177 {strides = array<i32>} : memref<640xf32, #tpu.memory_space<vmem>>, vector<16xf32>,
    %swap3A_178 = arith.constant 512 : index
    %swap3A_179 = tpu.vector_load %arg15[%swap3A_178] {strides = array<i32>} : memref<640xf32, #tpu.memory_space<vmem>>, vector<16xf32>,
    %swap3A_180 = vector.shape_cast %swap3A_179 : vector<16xf32> to vector<16xf32>
    %swap3A_181 = vector.shape_cast %broadcast_in_dim3A_11 : vector<16xf32> to vector<16xf32>
    tpu.vector_store %arg15[%swap3A_178], %swap3A_181 {strides = array<i32>} : memref<640xf32, #tpu.memory_space<vmem>>, vector<16xf32>,
    %swap3A_182 = arith.constant 528 : index
    %swap3A_183 = tpu.vector_load %arg15[%swap3A_182] {strides = array<i32>} : memref<640xf32, #tpu.memory_space<vmem>>, vector<16xf32>,
    %swap3A_184 = vector.shape_cast %swap3A_183 : vector<16xf32> to vector<16xf32>
    %swap3A_185 = vector.shape_cast %broadcast_in_dim3A_11 : vector<16xf32> to vector<16xf32>
    tpu.vector_store %arg15[%swap3A_182], %swap3A_185 {strides = array<i32>} : memref<640xf32, #tpu.memory_space<vmem>>, vector<16xf32>,
    %swap3A_186 = arith.constant 544 : index
    %swap3A_187 = tpu.vector_load %arg15[%swap3A_186] {strides = array<i32>} : memref<640xf32, #tpu.memory_space<vmem>>, vector<16xf32>,
    %swap3A_188 = vector.shape_cast %swap3A_187 : vector<16xf32> to vector<16xf32>
    %swap3A_189 = vector.shape_cast %broadcast_in_dim3A_11 : vector<16xf32> to vector<16xf32>
    tpu.vector_store %arg15[%swap3A_186], %swap3A_189 {strides = array<i32>} : memref<640xf32, #tpu.memory_space<vmem>>, vector<16xf32>,
    %swap3A_190 = arith.constant 560 : index
    %swap3A_191 = tpu.vector_load %arg15[%swap3A_190] {strides = array<i32>} : memref<640xf32, #tpu.memory_space<vmem>>, vector<16xf32>,
    %swap3A_192 = vector.shape_cast %swap3A_191 : vector<16xf32> to vector<16xf32>
    %swap3A_193 = vector.shape_cast %broadcast_in_dim3A_11 : vector<16xf32> to vector<16xf32>
    tpu.vector_store %arg15[%swap3A_190], %swap3A_193 {strides = array<i32>} : memref<640xf32, #tpu.memory_space<vmem>>, vector<16xf32>,
    %swap3A_194 = arith.constant 576 : index
    %swap3A_195 = tpu.vector_load %arg15[%swap3A_194] {strides = array<i32>} : memref<640xf32, #tpu.memory_space<vmem>>, vector<16xf32>,
    %swap3A_196 = vector.shape_cast %swap3A_195 : vector<16xf32> to vector<16xf32>
    %swap3A_197 = vector.shape_cast %broadcast_in_dim3A_11 : vector<16xf32> to vector<16xf32>
    tpu.vector_store %arg15[%swap3A_194], %swap3A_197 {strides = array<i32>} : memref<640xf32, #tpu.memory_space<vmem>>, vector<16xf32>,
    %swap3A_198 = arith.constant 592 : index
    %swap3A_199 = tpu.vector_load %arg15[%swap3A_198] {strides = array<i32>} : memref<640xf32, #tpu.memory_space<vmem>>, vector<16xf32>,
    %swap3A_200 = vector.shape_cast %swap3A_199 : vector<16xf32> to vector<16xf32>
    %swap3A_201 = vector.shape_cast %broadcast_in_dim3A_11 : vector<16xf32> to vector<16xf32>
    tpu.vector_store %arg15[%swap3A_198], %swap3A_201 {strides = array<i32>} : memref<640xf32, #tpu.memory_space<vmem>>, vector<16xf32>,
    %swap3A_202 = arith.constant 608 : index
    %swap3A_203 = tpu.vector_load %arg15[%swap3A_202] {strides = array<i32>} : memref<640xf32, #tpu.memory_space<vmem>>, vector<16xf32>,
    %swap3A_204 = vector.shape_cast %swap3A_203 : vector<16xf32> to vector<16xf32>
    %swap3A_205 = vector.shape_cast %broadcast_in_dim3A_11 : vector<16xf32> to vector<16xf32>
    tpu.vector_store %arg15[%swap3A_202], %swap3A_205 {strides = array<i32>} : memref<640xf32, #tpu.memory_space<vmem>>, vector<16xf32>,
    %swap3A_206 = arith.constant 624 : index
    %swap3A_207 = tpu.vector_load %arg15[%swap3A_206] {strides = array<i32>} : memref<640xf32, #tpu.memory_space<vmem>>, vector<16xf32>,
    %swap3A_208 = vector.shape_cast %swap3A_207 : vector<16xf32> to vector<16xf32>
    %swap3A_209 = vector.shape_cast %broadcast_in_dim3A_11 : vector<16xf32> to vector<16xf32>
    tpu.vector_store %arg15[%swap3A_206], %swap3A_209 {strides = array<i32>} : memref<640xf32, #tpu.memory_space<vmem>>, vector<16xf32>,
    %mul3A_210 = arith.constant 640 : i32
    %mul3A_211 = arith.muli %arg1, %mul3A_210 : i32
    %add3A_212 = arith.constant 0 : i32
    %add3A_213 = arith.addi %mul3A_211, %add3A_212 : i32
    "tpu.region"() ({
      %run_scoped3A_362 = tpu.sem_alloc : memref<!tpu.dma_semaphore, #tpu.memory_space<semaphore_mem>>
      %dma_start3A_363 = arith.constant 0 : i32
      %dma_start3A_364 = tpu.memref_slice %arg30[%add3A_213, %dma_start3A_363] : memref<10240x128xf32, #tpu.memory_space<vmem_shared>> -> memref<128x128xf32, #tpu.memory_space<vmem_shared>>
      %dma_start3A_365 = arith.constant 0 : i32
      %dma_start3A_366 = tpu.memref_slice %arg30[%add3A_213, %dma_start3A_365] : memref<10240x128xf32, #tpu.memory_space<vmem_shared>> -> memref<128x128xf32, #tpu.memory_space<vmem_shared>>
      tpu.enqueue_dma source(%arg12 : memref<128x128xf32, #tpu.memory_space<vmem>>) target(%dma_start3A_366 : memref<128x128xf32, #tpu.memory_space<vmem_shared>>) target_semaphore(%run_scoped3A_362 : memref<!tpu.dma_semaphore, #tpu.memory_space<semaphore_mem>>)
      %dma_wait3A_367 = arith.constant 0 : i32
      %dma_wait3A_368 = tpu.memref_slice %arg30[%add3A_213, %dma_wait3A_367] : memref<10240x128xf32, #tpu.memory_space<vmem_shared>> -> memref<128x128xf32, #tpu.memory_space<vmem_shared>>
      %dma_wait3A_369 = arith.constant 0 : i32
      %dma_wait3A_370 = tpu.memref_slice %arg30[%add3A_213, %dma_wait3A_369] : memref<10240x128xf32, #tpu.memory_space<vmem_shared>> -> memref<128x128xf32, #tpu.memory_space<vmem_shared>>
      tpu.wait_dma2 semaphore(%run_scoped3A_362 : memref<!tpu.dma_semaphore, #tpu.memory_space<semaphore_mem>>) src(%arg12 : memref<128x128xf32, #tpu.memory_space<vmem>>) dst(%dma_wait3A_370 : memref<128x128xf32, #tpu.memory_space<vmem_shared>>)
      tpu.yield
    }) : () -> ()
    %mul3A_214 = arith.constant 640 : i32
    %mul3A_215 = arith.muli %arg1, %mul3A_214 : i32
    %add3A_216 = arith.constant 128 : i32
    %add3A_217 = arith.addi %mul3A_215, %add3A_216 : i32
    "tpu.region"() ({
      %run_scoped3A_362 = tpu.sem_alloc : memref<!tpu.dma_semaphore, #tpu.memory_space<semaphore_mem>>
      %dma_start3A_363 = arith.constant 0 : i32
      %dma_start3A_364 = tpu.memref_slice %arg30[%add3A_217, %dma_start3A_363] : memref<10240x128xf32, #tpu.memory_space<vmem_shared>> -> memref<128x128xf32, #tpu.memory_space<vmem_shared>>
      %dma_start3A_365 = arith.constant 0 : i32
      %dma_start3A_366 = tpu.memref_slice %arg30[%add3A_217, %dma_start3A_365] : memref<10240x128xf32, #tpu.memory_space<vmem_shared>> -> memref<128x128xf32, #tpu.memory_space<vmem_shared>>
      tpu.enqueue_dma source(%arg12 : memref<128x128xf32, #tpu.memory_space<vmem>>) target(%dma_start3A_366 : memref<128x128xf32, #tpu.memory_space<vmem_shared>>) target_semaphore(%run_scoped3A_362 : memref<!tpu.dma_semaphore, #tpu.memory_space<semaphore_mem>>)
      %dma_wait3A_367 = arith.constant 0 : i32
      %dma_wait3A_368 = tpu.memref_slice %arg30[%add3A_217, %dma_wait3A_367] : memref<10240x128xf32, #tpu.memory_space<vmem_shared>> -> memref<128x128xf32, #tpu.memory_space<vmem_shared>>
      %dma_wait3A_369 = arith.constant 0 : i32
      %dma_wait3A_370 = tpu.memref_slice %arg30[%add3A_217, %dma_wait3A_369] : memref<10240x128xf32, #tpu.memory_space<vmem_shared>> -> memref<128x128xf32, #tpu.memory_space<vmem_shared>>
      tpu.wait_dma2 semaphore(%run_scoped3A_362 : memref<!tpu.dma_semaphore, #tpu.memory_space<semaphore_mem>>) src(%arg12 : memref<128x128xf32, #tpu.memory_space<vmem>>) dst(%dma_wait3A_370 : memref<128x128xf32, #tpu.memory_space<vmem_shared>>)
      tpu.yield
    }) : () -> ()
    %mul3A_218 = arith.constant 640 : i32
    %mul3A_219 = arith.muli %arg1, %mul3A_218 : i32
    %add3A_220 = arith.constant 256 : i32
    %add3A_221 = arith.addi %mul3A_219, %add3A_220 : i32
    "tpu.region"() ({
      %run_scoped3A_362 = tpu.sem_alloc : memref<!tpu.dma_semaphore, #tpu.memory_space<semaphore_mem>>
      %dma_start3A_363 = arith.constant 0 : i32
      %dma_start3A_364 = tpu.memref_slice %arg30[%add3A_221, %dma_start3A_363] : memref<10240x128xf32, #tpu.memory_space<vmem_shared>> -> memref<128x128xf32, #tpu.memory_space<vmem_shared>>
      %dma_start3A_365 = arith.constant 0 : i32
      %dma_start3A_366 = tpu.memref_slice %arg30[%add3A_221, %dma_start3A_365] : memref<10240x128xf32, #tpu.memory_space<vmem_shared>> -> memref<128x128xf32, #tpu.memory_space<vmem_shared>>
      tpu.enqueue_dma source(%arg12 : memref<128x128xf32, #tpu.memory_space<vmem>>) target(%dma_start3A_366 : memref<128x128xf32, #tpu.memory_space<vmem_shared>>) target_semaphore(%run_scoped3A_362 : memref<!tpu.dma_semaphore, #tpu.memory_space<semaphore_mem>>)
      %dma_wait3A_367 = arith.constant 0 : i32
      %dma_wait3A_368 = tpu.memref_slice %arg30[%add3A_221, %dma_wait3A_367] : memref<10240x128xf32, #tpu.memory_space<vmem_shared>> -> memref<128x128xf32, #tpu.memory_space<vmem_shared>>
      %dma_wait3A_369 = arith.constant 0 : i32
      %dma_wait3A_370 = tpu.memref_slice %arg30[%add3A_221, %dma_wait3A_369] : memref<10240x128xf32, #tpu.memory_space<vmem_shared>> -> memref<128x128xf32, #tpu.memory_space<vmem_shared>>
      tpu.wait_dma2 semaphore(%run_scoped3A_362 : memref<!tpu.dma_semaphore, #tpu.memory_space<semaphore_mem>>) src(%arg12 : memref<128x128xf32, #tpu.memory_space<vmem>>) dst(%dma_wait3A_370 : memref<128x128xf32, #tpu.memory_space<vmem_shared>>)
      tpu.yield
    }) : () -> ()
    %mul3A_222 = arith.constant 640 : i32
    %mul3A_223 = arith.muli %arg1, %mul3A_222 : i32
    %add3A_224 = arith.constant 384 : i32
    %add3A_225 = arith.addi %mul3A_223, %add3A_224 : i32
    "tpu.region"() ({
      %run_scoped3A_362 = tpu.sem_alloc : memref<!tpu.dma_semaphore, #tpu.memory_space<semaphore_mem>>
      %dma_start3A_363 = arith.constant 0 : i32
      %dma_start3A_364 = tpu.memref_slice %arg30[%add3A_225, %dma_start3A_363] : memref<10240x128xf32, #tpu.memory_space<vmem_shared>> -> memref<128x128xf32, #tpu.memory_space<vmem_shared>>
      %dma_start3A_365 = arith.constant 0 : i32
      %dma_start3A_366 = tpu.memref_slice %arg30[%add3A_225, %dma_start3A_365] : memref<10240x128xf32, #tpu.memory_space<vmem_shared>> -> memref<128x128xf32, #tpu.memory_space<vmem_shared>>
      tpu.enqueue_dma source(%arg12 : memref<128x128xf32, #tpu.memory_space<vmem>>) target(%dma_start3A_366 : memref<128x128xf32, #tpu.memory_space<vmem_shared>>) target_semaphore(%run_scoped3A_362 : memref<!tpu.dma_semaphore, #tpu.memory_space<semaphore_mem>>)
      %dma_wait3A_367 = arith.constant 0 : i32
      %dma_wait3A_368 = tpu.memref_slice %arg30[%add3A_225, %dma_wait3A_367] : memref<10240x128xf32, #tpu.memory_space<vmem_shared>> -> memref<128x128xf32, #tpu.memory_space<vmem_shared>>
      %dma_wait3A_369 = arith.constant 0 : i32
      %dma_wait3A_370 = tpu.memref_slice %arg30[%add3A_225, %dma_wait3A_369] : memref<10240x128xf32, #tpu.memory_space<vmem_shared>> -> memref<128x128xf32, #tpu.memory_space<vmem_shared>>
      tpu.wait_dma2 semaphore(%run_scoped3A_362 : memref<!tpu.dma_semaphore, #tpu.memory_space<semaphore_mem>>) src(%arg12 : memref<128x128xf32, #tpu.memory_space<vmem>>) dst(%dma_wait3A_370 : memref<128x128xf32, #tpu.memory_space<vmem_shared>>)
      tpu.yield
    }) : () -> ()
    %mul3A_226 = arith.constant 640 : i32
    %mul3A_227 = arith.muli %arg1, %mul3A_226 : i32
    %add3A_228 = arith.constant 512 : i32
    %add3A_229 = arith.addi %mul3A_227, %add3A_228 : i32
    "tpu.region"() ({
      %run_scoped3A_362 = tpu.sem_alloc : memref<!tpu.dma_semaphore, #tpu.memory_space<semaphore_mem>>
      %dma_start3A_363 = arith.constant 0 : i32
      %dma_start3A_364 = tpu.memref_slice %arg30[%add3A_229, %dma_start3A_363] : memref<10240x128xf32, #tpu.memory_space<vmem_shared>> -> memref<128x128xf32, #tpu.memory_space<vmem_shared>>
      %dma_start3A_365 = arith.constant 0 : i32
      %dma_start3A_366 = tpu.memref_slice %arg30[%add3A_229, %dma_start3A_365] : memref<10240x128xf32, #tpu.memory_space<vmem_shared>> -> memref<128x128xf32, #tpu.memory_space<vmem_shared>>
      tpu.enqueue_dma source(%arg12 : memref<128x128xf32, #tpu.memory_space<vmem>>) target(%dma_start3A_366 : memref<128x128xf32, #tpu.memory_space<vmem_shared>>) target_semaphore(%run_scoped3A_362 : memref<!tpu.dma_semaphore, #tpu.memory_space<semaphore_mem>>)
      %dma_wait3A_367 = arith.constant 0 : i32
      %dma_wait3A_368 = tpu.memref_slice %arg30[%add3A_229, %dma_wait3A_367] : memref<10240x128xf32, #tpu.memory_space<vmem_shared>> -> memref<128x128xf32, #tpu.memory_space<vmem_shared>>
      %dma_wait3A_369 = arith.constant 0 : i32
      %dma_wait3A_370 = tpu.memref_slice %arg30[%add3A_229, %dma_wait3A_369] : memref<10240x128xf32, #tpu.memory_space<vmem_shared>> -> memref<128x128xf32, #tpu.memory_space<vmem_shared>>
      tpu.wait_dma2 semaphore(%run_scoped3A_362 : memref<!tpu.dma_semaphore, #tpu.memory_space<semaphore_mem>>) src(%arg12 : memref<128x128xf32, #tpu.memory_space<vmem>>) dst(%dma_wait3A_370 : memref<128x128xf32, #tpu.memory_space<vmem_shared>>)
      tpu.yield
    }) : () -> ()
    %mul3A_230 = arith.constant 640 : i32
    %mul3A_231 = arith.muli %arg1, %mul3A_230 : i32
    "tpu.region"() ({
      %run_scoped3A_362 = tpu.sem_alloc : memref<!tpu.dma_semaphore, #tpu.memory_space<semaphore_mem>>
      %dma_start3A_363 = tpu.memref_slice %arg31[%mul3A_231] : memref<10240xf32, #tpu.memory_space<vmem_shared>> -> memref<640xf32, #tpu.memory_space<vmem_shared>>
      %dma_start3A_364 = tpu.memref_slice %arg31[%mul3A_231] : memref<10240xf32, #tpu.memory_space<vmem_shared>> -> memref<640xf32, #tpu.memory_space<vmem_shared>>
      tpu.enqueue_dma source(%arg15 : memref<640xf32, #tpu.memory_space<vmem>>) target(%dma_start3A_364 : memref<640xf32, #tpu.memory_space<vmem_shared>>) target_semaphore(%run_scoped3A_362 : memref<!tpu.dma_semaphore, #tpu.memory_space<semaphore_mem>>)
      %dma_wait3A_365 = tpu.memref_slice %arg31[%mul3A_231] : memref<10240xf32, #tpu.memory_space<vmem_shared>> -> memref<640xf32, #tpu.memory_space<vmem_shared>>
      %dma_wait3A_366 = tpu.memref_slice %arg31[%mul3A_231] : memref<10240xf32, #tpu.memory_space<vmem_shared>> -> memref<640xf32, #tpu.memory_space<vmem_shared>>
      tpu.wait_dma2 semaphore(%run_scoped3A_362 : memref<!tpu.dma_semaphore, #tpu.memory_space<semaphore_mem>>) src(%arg15 : memref<640xf32, #tpu.memory_space<vmem>>) dst(%dma_wait3A_366 : memref<640xf32, #tpu.memory_space<vmem_shared>>)
      tpu.yield
    }) : () -> ()
    %run_scoped3A = arith.constant 0 : i32
    "tpu.region"() ({
      %run_scoped3A_362 = tpu.sem_alloc : memref<!tpu.dma_semaphore, #tpu.memory_space<semaphore_mem>>
      %dma_start3A_363 = tpu.memref_slice %arg3[%run_scoped3A, %mul3A_6] : memref<2x320000xi32, #tpu.memory_space<hbm>> -> memref<1x128xi32, #tpu.memory_space<hbm>>
      %dma_start3A_364 = tpu.memref_squeeze %dma_start3A_363 : memref<1x128xi32, #tpu.memory_space<hbm>> -> memref<128xi32, #tpu.memory_space<hbm>>
      %dma_start3A_365 = tpu.memref_slice %arg3[%run_scoped3A, %mul3A_6] : memref<2x320000xi32, #tpu.memory_space<hbm>> -> memref<1x128xi32, #tpu.memory_space<hbm>>
      %dma_start3A_366 = tpu.memref_squeeze %dma_start3A_365 : memref<1x128xi32, #tpu.memory_space<hbm>> -> memref<128xi32, #tpu.memory_space<hbm>>
      tpu.enqueue_dma source(%dma_start3A_366 : memref<128xi32, #tpu.memory_space<hbm>>) target(%arg6 : memref<128xi32, #tpu.memory_space<vmem>>) target_semaphore(%run_scoped3A_362 : memref<!tpu.dma_semaphore, #tpu.memory_space<semaphore_mem>>)
      %dma_wait3A_367 = tpu.memref_slice %arg3[%run_scoped3A, %mul3A_6] : memref<2x320000xi32, #tpu.memory_space<hbm>> -> memref<1x128xi32, #tpu.memory_space<hbm>>
      %dma_wait3A_368 = tpu.memref_squeeze %dma_wait3A_367 : memref<1x128xi32, #tpu.memory_space<hbm>> -> memref<128xi32, #tpu.memory_space<hbm>>
      %dma_wait3A_369 = tpu.memref_slice %arg3[%run_scoped3A, %mul3A_6] : memref<2x320000xi32, #tpu.memory_space<hbm>> -> memref<1x128xi32, #tpu.memory_space<hbm>>
      %dma_wait3A_370 = tpu.memref_squeeze %dma_wait3A_369 : memref<1x128xi32, #tpu.memory_space<hbm>> -> memref<128xi32, #tpu.memory_space<hbm>>
      tpu.wait_dma2 semaphore(%run_scoped3A_362 : memref<!tpu.dma_semaphore, #tpu.memory_space<semaphore_mem>>) src(%dma_wait3A_370 : memref<128xi32, #tpu.memory_space<hbm>>) dst(%arg6 : memref<128xi32, #tpu.memory_space<vmem>>)
      tpu.yield
    }) : () -> ()
    %run_scoped3A_232 = arith.constant 1 : i32
    "tpu.region"() ({
      %run_scoped3A_362 = tpu.sem_alloc : memref<!tpu.dma_semaphore, #tpu.memory_space<semaphore_mem>>
      %dma_start3A_363 = tpu.memref_slice %arg3[%run_scoped3A_232, %mul3A_6] : memref<2x320000xi32, #tpu.memory_space<hbm>> -> memref<1x128xi32, #tpu.memory_space<hbm>>
      %dma_start3A_364 = tpu.memref_squeeze %dma_start3A_363 : memref<1x128xi32, #tpu.memory_space<hbm>> -> memref<128xi32, #tpu.memory_space<hbm>>
      %dma_start3A_365 = tpu.memref_slice %arg3[%run_scoped3A_232, %mul3A_6] : memref<2x320000xi32, #tpu.memory_space<hbm>> -> memref<1x128xi32, #tpu.memory_space<hbm>>
      %dma_start3A_366 = tpu.memref_squeeze %dma_start3A_365 : memref<1x128xi32, #tpu.memory_space<hbm>> -> memref<128xi32, #tpu.memory_space<hbm>>
      tpu.enqueue_dma source(%dma_start3A_366 : memref<128xi32, #tpu.memory_space<hbm>>) target(%arg8 : memref<128xi32, #tpu.memory_space<vmem>>) target_semaphore(%run_scoped3A_362 : memref<!tpu.dma_semaphore, #tpu.memory_space<semaphore_mem>>)
      %dma_wait3A_367 = tpu.memref_slice %arg3[%run_scoped3A_232, %mul3A_6] : memref<2x320000xi32, #tpu.memory_space<hbm>> -> memref<1x128xi32, #tpu.memory_space<hbm>>
      %dma_wait3A_368 = tpu.memref_squeeze %dma_wait3A_367 : memref<1x128xi32, #tpu.memory_space<hbm>> -> memref<128xi32, #tpu.memory_space<hbm>>
      %dma_wait3A_369 = tpu.memref_slice %arg3[%run_scoped3A_232, %mul3A_6] : memref<2x320000xi32, #tpu.memory_space<hbm>> -> memref<1x128xi32, #tpu.memory_space<hbm>>
      %dma_wait3A_370 = tpu.memref_squeeze %dma_wait3A_369 : memref<1x128xi32, #tpu.memory_space<hbm>> -> memref<128xi32, #tpu.memory_space<hbm>>
      tpu.wait_dma2 semaphore(%run_scoped3A_362 : memref<!tpu.dma_semaphore, #tpu.memory_space<semaphore_mem>>) src(%dma_wait3A_370 : memref<128xi32, #tpu.memory_space<hbm>>) dst(%arg8 : memref<128xi32, #tpu.memory_space<vmem>>)
      tpu.yield
    }) : () -> ()
    %add3A_233 = arith.constant 128 : i32
    %add3A_234 = arith.addi %mul3A_6, %add3A_233 : i32
    %dma_start3A = arith.constant 0 : i32
    %dma_start3A_235 = tpu.memref_slice %arg3[%dma_start3A, %add3A_234] : memref<2x320000xi32, #tpu.memory_space<hbm>> -> memref<1x128xi32, #tpu.memory_space<hbm>>
    %dma_start3A_236 = tpu.memref_squeeze %dma_start3A_235 : memref<1x128xi32, #tpu.memory_space<hbm>> -> memref<128xi32, #tpu.memory_space<hbm>>
    %dma_start3A_237 = tpu.memref_slice %arg3[%dma_start3A, %add3A_234] : memref<2x320000xi32, #tpu.memory_space<hbm>> -> memref<1x128xi32, #tpu.memory_space<hbm>>
    %dma_start3A_238 = tpu.memref_squeeze %dma_start3A_237 : memref<1x128xi32, #tpu.memory_space<hbm>> -> memref<128xi32, #tpu.memory_space<hbm>>
    tpu.enqueue_dma source(%dma_start3A_238 : memref<128xi32, #tpu.memory_space<hbm>>) target(%arg7 : memref<128xi32, #tpu.memory_space<vmem>>) target_semaphore(%arg19 : memref<!tpu.dma_semaphore, #tpu.memory_space<semaphore_mem>>)
    %add3A_239 = arith.constant 128 : i32
    %add3A_240 = arith.addi %mul3A_6, %add3A_239 : i32
    %dma_start3A_241 = arith.constant 1 : i32
    %dma_start3A_242 = tpu.memref_slice %arg3[%dma_start3A_241, %add3A_240] : memref<2x320000xi32, #tpu.memory_space<hbm>> -> memref<1x128xi32, #tpu.memory_space<hbm>>
    %dma_start3A_243 = tpu.memref_squeeze %dma_start3A_242 : memref<1x128xi32, #tpu.memory_space<hbm>> -> memref<128xi32, #tpu.memory_space<hbm>>
    %dma_start3A_244 = tpu.memref_slice %arg3[%dma_start3A_241, %add3A_240] : memref<2x320000xi32, #tpu.memory_space<hbm>> -> memref<1x128xi32, #tpu.memory_space<hbm>>
    %dma_start3A_245 = tpu.memref_squeeze %dma_start3A_244 : memref<1x128xi32, #tpu.memory_space<hbm>> -> memref<128xi32, #tpu.memory_space<hbm>>
    tpu.enqueue_dma source(%dma_start3A_245 : memref<128xi32, #tpu.memory_space<hbm>>) target(%arg9 : memref<128xi32, #tpu.memory_space<vmem>>) target_semaphore(%arg21 : memref<!tpu.dma_semaphore, #tpu.memory_space<semaphore_mem>>)
    %dma_start3A_246 = arith.constant 0 : i32
    %dma_start3A_247 = arith.constant 0 : i32
    %dma_start3A_248 = tpu.memref_slice %arg12[%dma_start3A_246, %dma_start3A_247] : memref<128x128xf32, #tpu.memory_space<vmem>> -> memref<64x128xf32, #tpu.memory_space<vmem>>
    %dma_start3A_249 = arith.constant 0 : i32
    %dma_start3A_250 = tpu.memref_slice %arg6[%dma_start3A_249] : memref<128xi32, #tpu.memory_space<vmem>> -> memref<64xi32, #tpu.memory_space<vmem>>
    %dma_start3A_251 = arith.constant 0 : i32
    %dma_start3A_252 = arith.constant 0 : i32
    %dma_start3A_253 = tpu.memref_slice %arg2[%dma_start3A_251, %dma_start3A_252] : memref<10000x128xf32, #tpu.memory_space<hbm>> -> memref<10000x128xf32, #tpu.memory_space<hbm>>
    tpu.enqueue_indirect_dma source(%dma_start3A_253 : memref<10000x128xf32, #tpu.memory_space<hbm>>) target(%dma_start3A_248 : memref<64x128xf32, #tpu.memory_space<vmem>>) offsets(%dma_start3A_250 : memref<64xi32, #tpu.memory_space<vmem>>) semaphore(%arg16 : memref<!tpu.dma_semaphore, #tpu.memory_space<semaphore_mem>>)
    %dma_start3A_254 = arith.constant 64 : i32
    %dma_start3A_255 = arith.constant 0 : i32
    %dma_start3A_256 = tpu.memref_slice %arg12[%dma_start3A_254, %dma_start3A_255] : memref<128x128xf32, #tpu.memory_space<vmem>> -> memref<64x128xf32, #tpu.memory_space<vmem>>
    %dma_start3A_257 = arith.constant 64 : i32
    %dma_start3A_258 = tpu.memref_slice %arg6[%dma_start3A_257] : memref<128xi32, #tpu.memory_space<vmem>> -> memref<64xi32, #tpu.memory_space<vmem>>
    %dma_start3A_259 = arith.constant 0 : i32
    %dma_start3A_260 = arith.constant 0 : i32
    %dma_start3A_261 = tpu.memref_slice %arg2[%dma_start3A_259, %dma_start3A_260] : memref<10000x128xf32, #tpu.memory_space<hbm>> -> memref<10000x128xf32, #tpu.memory_space<hbm>>
    tpu.enqueue_indirect_dma source(%dma_start3A_261 : memref<10000x128xf32, #tpu.memory_space<hbm>>) target(%dma_start3A_256 : memref<64x128xf32, #tpu.memory_space<vmem>>) offsets(%dma_start3A_258 : memref<64xi32, #tpu.memory_space<vmem>>) semaphore(%arg16 : memref<!tpu.dma_semaphore, #tpu.memory_space<semaphore_mem>>)
    %barrier3A = arith.constant 0 : index
    tpu.barrier barrier_id(%barrier3A)
    %scan3A_262 = arith.constant 0 : i32
    %scan3A_263 = arith.constant 0 : i32
    %scan3A_264 = arith.constant 19 : i32
    %scan3A_265 = arith.addi %scan3A_263, %scan3A_264 : i32
    %scan3A_266 = arith.constant 1 : i32
    scf.for %scan3A_362 = %scan3A_263 to %scan3A_265 step %scan3A_266  : i32 {
      %mul3A_363 = arith.constant 4 : i32
      %mul3A_364 = arith.muli %mul3A_363, %scan3A_362 : i32
      %add3A_365 = arith.constant 0 : i32
      %add3A_366 = arith.addi %mul3A_364, %add3A_365 : i32
      %dma_wait3A_367 = arith.constant 0 : i32
      %dma_wait3A_368 = arith.constant 0 : i32
      %dma_wait3A_369 = tpu.memref_slice %arg2[%dma_wait3A_367, %dma_wait3A_368] : memref<10000x128xf32, #tpu.memory_space<hbm>> -> memref<10000x128xf32, #tpu.memory_space<hbm>>
      tpu.wait_indirect_dma semaphore(%arg16 : memref<!tpu.dma_semaphore, #tpu.memory_space<semaphore_mem>>) src(%dma_wait3A_369 : memref<10000x128xf32, #tpu.memory_space<hbm>>) dst(%arg12 : memref<128x128xf32, #tpu.memory_space<vmem>>)
      %add3A_370 = arith.constant 1 : i32
      %add3A_371 = arith.addi %add3A_366, %add3A_370 : i32
      %lt3A_372 = arith.cmpi slt, %add3A_371, %add3A_10 : i32
      %convert_element_type3A_373 = arith.extui %lt3A_372 : i1 to i32
      %cond3A_374 = arith.constant 0 : i32
      %cond3A_375 = arith.cmpi ne, %convert_element_type3A_373, %cond3A_374 : i32
      scf.if %cond3A_375 {
        %add3A_459 = arith.constant 1 : i32
        %add3A_460 = arith.addi %add3A_366, %add3A_459 : i32
        %mul3A_461 = arith.constant 128 : i32
        %mul3A_462 = arith.muli %add3A_460, %mul3A_461 : i32
        %add3A_463 = arith.addi %mul3A_6, %mul3A_462 : i32
        %dma_wait3A_464 = arith.constant 0 : i32
        %dma_wait3A_465 = tpu.memref_slice %arg3[%dma_wait3A_464, %add3A_463] : memref<2x320000xi32, #tpu.memory_space<hbm>> -> memref<1x128xi32, #tpu.memory_space<hbm>>
        %dma_wait3A_466 = tpu.memref_squeeze %dma_wait3A_465 : memref<1x128xi32, #tpu.memory_space<hbm>> -> memref<128xi32, #tpu.memory_space<hbm>>
        %dma_wait3A_467 = tpu.memref_slice %arg3[%dma_wait3A_464, %add3A_463] : memref<2x320000xi32, #tpu.memory_space<hbm>> -> memref<1x128xi32, #tpu.memory_space<hbm>>
        %dma_wait3A_468 = tpu.memref_squeeze %dma_wait3A_467 : memref<1x128xi32, #tpu.memory_space<hbm>> -> memref<128xi32, #tpu.memory_space<hbm>>
        tpu.wait_dma2 semaphore(%arg19 : memref<!tpu.dma_semaphore, #tpu.memory_space<semaphore_mem>>) src(%dma_wait3A_468 : memref<128xi32, #tpu.memory_space<hbm>>) dst(%arg7 : memref<128xi32, #tpu.memory_space<vmem>>)
        %add3A_469 = arith.constant 1 : i32
        %add3A_470 = arith.addi %add3A_366, %add3A_469 : i32
        %mul3A_471 = arith.constant 128 : i32
        %mul3A_472 = arith.muli %add3A_470, %mul3A_471 : i32
        %add3A_473 = arith.addi %mul3A_6, %mul3A_472 : i32
        %dma_wait3A_474 = arith.constant 1 : i32
        %dma_wait3A_475 = tpu.memref_slice %arg3[%dma_wait3A_474, %add3A_473] : memref<2x320000xi32, #tpu.memory_space<hbm>> -> memref<1x128xi32, #tpu.memory_space<hbm>>
        %dma_wait3A_476 = tpu.memref_squeeze %dma_wait3A_475 : memref<1x128xi32, #tpu.memory_space<hbm>> -> memref<128xi32, #tpu.memory_space<hbm>>
        %dma_wait3A_477 = tpu.memref_slice %arg3[%dma_wait3A_474, %add3A_473] : memref<2x320000xi32, #tpu.memory_space<hbm>> -> memref<1x128xi32, #tpu.memory_space<hbm>>
        %dma_wait3A_478 = tpu.memref_squeeze %dma_wait3A_477 : memref<1x128xi32, #tpu.memory_space<hbm>> -> memref<128xi32, #tpu.memory_space<hbm>>
        tpu.wait_dma2 semaphore(%arg21 : memref<!tpu.dma_semaphore, #tpu.memory_space<semaphore_mem>>) src(%dma_wait3A_478 : memref<128xi32, #tpu.memory_space<hbm>>) dst(%arg9 : memref<128xi32, #tpu.memory_space<vmem>>)
        %ge3A = arith.constant 1 : i32
        %ge3A_479 = arith.cmpi sge, %add3A_366, %ge3A : i32
        %convert_element_type3A_480 = arith.extui %ge3A_479 : i1 to i32
        %cond3A_481 = arith.constant 0 : i32
        %cond3A_482 = arith.cmpi ne, %convert_element_type3A_480, %cond3A_481 : i32
        scf.if %cond3A_482 {
          %dma_wait3A_486 = arith.constant 0 : i32
          %dma_wait3A_487 = arith.constant 0 : i32
          %dma_wait3A_488 = tpu.memref_slice %arg30[%dma_wait3A_486, %dma_wait3A_487] : memref<10240x128xf32, #tpu.memory_space<vmem_shared>> -> memref<10240x128xf32, #tpu.memory_space<vmem_shared>>
          tpu.wait_indirect_dma semaphore(%arg25 : memref<!tpu.dma_semaphore, #tpu.memory_space<semaphore_mem>>) src(%arg13 : memref<128x128xf32, #tpu.memory_space<vmem>>) dst(%dma_wait3A_488 : memref<10240x128xf32, #tpu.memory_space<vmem_shared>>)
        } else {
        }
        %dma_start3A_483 = arith.constant 0 : i32
        %dma_start3A_484 = arith.constant 0 : i32
        %dma_start3A_485 = tpu.memref_slice %arg2[%dma_start3A_483, %dma_start3A_484] : memref<10000x128xf32, #tpu.memory_space<hbm>> -> memref<10000x128xf32, #tpu.memory_space<hbm>>
        tpu.enqueue_indirect_dma source(%dma_start3A_485 : memref<10000x128xf32, #tpu.memory_space<hbm>>) target(%arg13 : memref<128x128xf32, #tpu.memory_space<vmem>>) offsets(%arg7 : memref<128xi32, #tpu.memory_space<vmem>>) semaphore(%arg17 : memref<!tpu.dma_semaphore, #tpu.memory_space<semaphore_mem>>)
      } else {
      }
      %dma_start3A_376 = arith.constant 0 : i32
      %dma_start3A_377 = arith.constant 0 : i32
      %dma_start3A_378 = tpu.memref_slice %arg30[%dma_start3A_376, %dma_start3A_377] : memref<10240x128xf32, #tpu.memory_space<vmem_shared>> -> memref<10240x128xf32, #tpu.memory_space<vmem_shared>>
      tpu.enqueue_indirect_dma source(%arg12 : memref<128x128xf32, #tpu.memory_space<vmem>>) target(%dma_start3A_378 : memref<10240x128xf32, #tpu.memory_space<vmem_shared>>) offsets(%arg8 : memref<128xi32, #tpu.memory_space<vmem>>) semaphore(%arg24 : memref<!tpu.dma_semaphore, #tpu.memory_space<semaphore_mem>>) {add = true}
      %dma_start3A_379 = arith.constant 0 : i32
      %dma_start3A_380 = tpu.memref_slice %arg31[%dma_start3A_379] : memref<10240xf32, #tpu.memory_space<vmem_shared>> -> memref<10240xf32, #tpu.memory_space<vmem_shared>>
      tpu.enqueue_indirect_dma source(%arg14 : memref<128xf32, #tpu.memory_space<vmem>>) target(%dma_start3A_380 : memref<10240xf32, #tpu.memory_space<vmem_shared>>) offsets(%arg8 : memref<128xi32, #tpu.memory_space<vmem>>) semaphore(%arg26 : memref<!tpu.dma_semaphore, #tpu.memory_space<semaphore_mem>>) {add = true}
      %add3A_381 = arith.constant 2 : i32
      %add3A_382 = arith.addi %add3A_366, %add3A_381 : i32
      %lt3A_383 = arith.cmpi slt, %add3A_382, %add3A_10 : i32
      %convert_element_type3A_384 = arith.extui %lt3A_383 : i1 to i32
      %cond3A_385 = arith.constant 0 : i32
      %cond3A_386 = arith.cmpi ne, %convert_element_type3A_384, %cond3A_385 : i32
      scf.if %cond3A_386 {
        %ge3A = arith.constant 2 : i32
        %ge3A_459 = arith.cmpi sge, %add3A_366, %ge3A : i32
        %convert_element_type3A_460 = arith.extui %ge3A_459 : i1 to i32
        %cond3A_461 = arith.constant 0 : i32
        %cond3A_462 = arith.cmpi ne, %convert_element_type3A_460, %cond3A_461 : i32
        scf.if %cond3A_462 {
          %dma_wait3A_483 = arith.constant 0 : i32
          %dma_wait3A_484 = tpu.memref_slice %arg31[%dma_wait3A_483] : memref<10240xf32, #tpu.memory_space<vmem_shared>> -> memref<10240xf32, #tpu.memory_space<vmem_shared>>
          tpu.wait_indirect_dma semaphore(%arg28 : memref<!tpu.dma_semaphore, #tpu.memory_space<semaphore_mem>>) src(%arg14 : memref<128xf32, #tpu.memory_space<vmem>>) dst(%dma_wait3A_484 : memref<10240xf32, #tpu.memory_space<vmem_shared>>)
        } else {
        }
        %add3A_463 = arith.constant 2 : i32
        %add3A_464 = arith.addi %add3A_366, %add3A_463 : i32
        %mul3A_465 = arith.constant 128 : i32
        %mul3A_466 = arith.muli %add3A_464, %mul3A_465 : i32
        %add3A_467 = arith.addi %mul3A_6, %mul3A_466 : i32
        %dma_start3A_468 = arith.constant 0 : i32
        %dma_start3A_469 = tpu.memref_slice %arg3[%dma_start3A_468, %add3A_467] : memref<2x320000xi32, #tpu.memory_space<hbm>> -> memref<1x128xi32, #tpu.memory_space<hbm>>
        %dma_start3A_470 = tpu.memref_squeeze %dma_start3A_469 : memref<1x128xi32, #tpu.memory_space<hbm>> -> memref<128xi32, #tpu.memory_space<hbm>>
        %dma_start3A_471 = tpu.memref_slice %arg3[%dma_start3A_468, %add3A_467] : memref<2x320000xi32, #tpu.memory_space<hbm>> -> memref<1x128xi32, #tpu.memory_space<hbm>>
        %dma_start3A_472 = tpu.memref_squeeze %dma_start3A_471 : memref<1x128xi32, #tpu.memory_space<hbm>> -> memref<128xi32, #tpu.memory_space<hbm>>
        tpu.enqueue_dma source(%dma_start3A_472 : memref<128xi32, #tpu.memory_space<hbm>>) target(%arg6 : memref<128xi32, #tpu.memory_space<vmem>>) target_semaphore(%arg18 : memref<!tpu.dma_semaphore, #tpu.memory_space<semaphore_mem>>)
        %add3A_473 = arith.constant 2 : i32
        %add3A_474 = arith.addi %add3A_366, %add3A_473 : i32
        %mul3A_475 = arith.constant 128 : i32
        %mul3A_476 = arith.muli %add3A_474, %mul3A_475 : i32
        %add3A_477 = arith.addi %mul3A_6, %mul3A_476 : i32
        %dma_start3A_478 = arith.constant 1 : i32
        %dma_start3A_479 = tpu.memref_slice %arg3[%dma_start3A_478, %add3A_477] : memref<2x320000xi32, #tpu.memory_space<hbm>> -> memref<1x128xi32, #tpu.memory_space<hbm>>
        %dma_start3A_480 = tpu.memref_squeeze %dma_start3A_479 : memref<1x128xi32, #tpu.memory_space<hbm>> -> memref<128xi32, #tpu.memory_space<hbm>>
        %dma_start3A_481 = tpu.memref_slice %arg3[%dma_start3A_478, %add3A_477] : memref<2x320000xi32, #tpu.memory_space<hbm>> -> memref<1x128xi32, #tpu.memory_space<hbm>>
        %dma_start3A_482 = tpu.memref_squeeze %dma_start3A_481 : memref<1x128xi32, #tpu.memory_space<hbm>> -> memref<128xi32, #tpu.memory_space<hbm>>
        tpu.enqueue_dma source(%dma_start3A_482 : memref<128xi32, #tpu.memory_space<hbm>>) target(%arg10 : memref<128xi32, #tpu.memory_space<vmem>>) target_semaphore(%arg22 : memref<!tpu.dma_semaphore, #tpu.memory_space<semaphore_mem>>)
      } else {
      }
      %mul3A_387 = arith.constant 4 : i32
      %mul3A_388 = arith.muli %mul3A_387, %scan3A_362 : i32
      %add3A_389 = arith.constant 1 : i32
      %add3A_390 = arith.addi %mul3A_388, %add3A_389 : i32
      %dma_wait3A_391 = arith.constant 0 : i32
      %dma_wait3A_392 = arith.constant 0 : i32
      %dma_wait3A_393 = tpu.memref_slice %arg2[%dma_wait3A_391, %dma_wait3A_392] : memref<10000x128xf32, #tpu.memory_space<hbm>> -> memref<10000x128xf32, #tpu.memory_space<hbm>>
      tpu.wait_indirect_dma semaphore(%arg17 : memref<!tpu.dma_semaphore, #tpu.memory_space<semaphore_mem>>) src(%dma_wait3A_393 : memref<10000x128xf32, #tpu.memory_space<hbm>>) dst(%arg13 : memref<128x128xf32, #tpu.memory_space<vmem>>)
      %add3A_394 = arith.constant 1 : i32
      %add3A_395 = arith.addi %add3A_390, %add3A_394 : i32
      %lt3A_396 = arith.cmpi slt, %add3A_395, %add3A_10 : i32
      %convert_element_type3A_397 = arith.extui %lt3A_396 : i1 to i32
      %cond3A_398 = arith.constant 0 : i32
      %cond3A_399 = arith.cmpi ne, %convert_element_type3A_397, %cond3A_398 : i32
      scf.if %cond3A_399 {
        %add3A_459 = arith.constant 1 : i32
        %add3A_460 = arith.addi %add3A_390, %add3A_459 : i32
        %mul3A_461 = arith.constant 128 : i32
        %mul3A_462 = arith.muli %add3A_460, %mul3A_461 : i32
        %add3A_463 = arith.addi %mul3A_6, %mul3A_462 : i32
        %dma_wait3A_464 = arith.constant 0 : i32
        %dma_wait3A_465 = tpu.memref_slice %arg3[%dma_wait3A_464, %add3A_463] : memref<2x320000xi32, #tpu.memory_space<hbm>> -> memref<1x128xi32, #tpu.memory_space<hbm>>
        %dma_wait3A_466 = tpu.memref_squeeze %dma_wait3A_465 : memref<1x128xi32, #tpu.memory_space<hbm>> -> memref<128xi32, #tpu.memory_space<hbm>>
        %dma_wait3A_467 = tpu.memref_slice %arg3[%dma_wait3A_464, %add3A_463] : memref<2x320000xi32, #tpu.memory_space<hbm>> -> memref<1x128xi32, #tpu.memory_space<hbm>>
        %dma_wait3A_468 = tpu.memref_squeeze %dma_wait3A_467 : memref<1x128xi32, #tpu.memory_space<hbm>> -> memref<128xi32, #tpu.memory_space<hbm>>
        tpu.wait_dma2 semaphore(%arg18 : memref<!tpu.dma_semaphore, #tpu.memory_space<semaphore_mem>>) src(%dma_wait3A_468 : memref<128xi32, #tpu.memory_space<hbm>>) dst(%arg6 : memref<128xi32, #tpu.memory_space<vmem>>)
        %add3A_469 = arith.constant 1 : i32
        %add3A_470 = arith.addi %add3A_390, %add3A_469 : i32
        %mul3A_471 = arith.constant 128 : i32
        %mul3A_472 = arith.muli %add3A_470, %mul3A_471 : i32
        %add3A_473 = arith.addi %mul3A_6, %mul3A_472 : i32
        %dma_wait3A_474 = arith.constant 1 : i32
        %dma_wait3A_475 = tpu.memref_slice %arg3[%dma_wait3A_474, %add3A_473] : memref<2x320000xi32, #tpu.memory_space<hbm>> -> memref<1x128xi32, #tpu.memory_space<hbm>>
        %dma_wait3A_476 = tpu.memref_squeeze %dma_wait3A_475 : memref<1x128xi32, #tpu.memory_space<hbm>> -> memref<128xi32, #tpu.memory_space<hbm>>
        %dma_wait3A_477 = tpu.memref_slice %arg3[%dma_wait3A_474, %add3A_473] : memref<2x320000xi32, #tpu.memory_space<hbm>> -> memref<1x128xi32, #tpu.memory_space<hbm>>
        %dma_wait3A_478 = tpu.memref_squeeze %dma_wait3A_477 : memref<1x128xi32, #tpu.memory_space<hbm>> -> memref<128xi32, #tpu.memory_space<hbm>>
        tpu.wait_dma2 semaphore(%arg22 : memref<!tpu.dma_semaphore, #tpu.memory_space<semaphore_mem>>) src(%dma_wait3A_478 : memref<128xi32, #tpu.memory_space<hbm>>) dst(%arg10 : memref<128xi32, #tpu.memory_space<vmem>>)
        %ge3A = arith.constant 1 : i32
        %ge3A_479 = arith.cmpi sge, %add3A_390, %ge3A : i32
        %convert_element_type3A_480 = arith.extui %ge3A_479 : i1 to i32
        %cond3A_481 = arith.constant 0 : i32
        %cond3A_482 = arith.cmpi ne, %convert_element_type3A_480, %cond3A_481 : i32
        scf.if %cond3A_482 {
          %dma_wait3A_486 = arith.constant 0 : i32
          %dma_wait3A_487 = arith.constant 0 : i32
          %dma_wait3A_488 = tpu.memref_slice %arg30[%dma_wait3A_486, %dma_wait3A_487] : memref<10240x128xf32, #tpu.memory_space<vmem_shared>> -> memref<10240x128xf32, #tpu.memory_space<vmem_shared>>
          tpu.wait_indirect_dma semaphore(%arg24 : memref<!tpu.dma_semaphore, #tpu.memory_space<semaphore_mem>>) src(%arg12 : memref<128x128xf32, #tpu.memory_space<vmem>>) dst(%dma_wait3A_488 : memref<10240x128xf32, #tpu.memory_space<vmem_shared>>)
        } else {
        }
        %dma_start3A_483 = arith.constant 0 : i32
        %dma_start3A_484 = arith.constant 0 : i32
        %dma_start3A_485 = tpu.memref_slice %arg2[%dma_start3A_483, %dma_start3A_484] : memref<10000x128xf32, #tpu.memory_space<hbm>> -> memref<10000x128xf32, #tpu.memory_space<hbm>>
        tpu.enqueue_indirect_dma source(%dma_start3A_485 : memref<10000x128xf32, #tpu.memory_space<hbm>>) target(%arg12 : memref<128x128xf32, #tpu.memory_space<vmem>>) offsets(%arg6 : memref<128xi32, #tpu.memory_space<vmem>>) semaphore(%arg16 : memref<!tpu.dma_semaphore, #tpu.memory_space<semaphore_mem>>)
      } else {
      }
      %dma_start3A_400 = arith.constant 0 : i32
      %dma_start3A_401 = arith.constant 0 : i32
      %dma_start3A_402 = tpu.memref_slice %arg30[%dma_start3A_400, %dma_start3A_401] : memref<10240x128xf32, #tpu.memory_space<vmem_shared>> -> memref<10240x128xf32, #tpu.memory_space<vmem_shared>>
      tpu.enqueue_indirect_dma source(%arg13 : memref<128x128xf32, #tpu.memory_space<vmem>>) target(%dma_start3A_402 : memref<10240x128xf32, #tpu.memory_space<vmem_shared>>) offsets(%arg9 : memref<128xi32, #tpu.memory_space<vmem>>) semaphore(%arg25 : memref<!tpu.dma_semaphore, #tpu.memory_space<semaphore_mem>>) {add = true}
      %dma_start3A_403 = arith.constant 0 : i32
      %dma_start3A_404 = tpu.memref_slice %arg31[%dma_start3A_403] : memref<10240xf32, #tpu.memory_space<vmem_shared>> -> memref<10240xf32, #tpu.memory_space<vmem_shared>>
      tpu.enqueue_indirect_dma source(%arg14 : memref<128xf32, #tpu.memory_space<vmem>>) target(%dma_start3A_404 : memref<10240xf32, #tpu.memory_space<vmem_shared>>) offsets(%arg9 : memref<128xi32, #tpu.memory_space<vmem>>) semaphore(%arg27 : memref<!tpu.dma_semaphore, #tpu.memory_space<semaphore_mem>>) {add = true}
      %add3A_405 = arith.constant 2 : i32
      %add3A_406 = arith.addi %add3A_390, %add3A_405 : i32
      %lt3A_407 = arith.cmpi slt, %add3A_406, %add3A_10 : i32
      %convert_element_type3A_408 = arith.extui %lt3A_407 : i1 to i32
      %cond3A_409 = arith.constant 0 : i32
      %cond3A_410 = arith.cmpi ne, %convert_element_type3A_408, %cond3A_409 : i32
      scf.if %cond3A_410 {
        %ge3A = arith.constant 2 : i32
        %ge3A_459 = arith.cmpi sge, %add3A_390, %ge3A : i32
        %convert_element_type3A_460 = arith.extui %ge3A_459 : i1 to i32
        %cond3A_461 = arith.constant 0 : i32
        %cond3A_462 = arith.cmpi ne, %convert_element_type3A_460, %cond3A_461 : i32
        scf.if %cond3A_462 {
          %dma_wait3A_483 = arith.constant 0 : i32
          %dma_wait3A_484 = tpu.memref_slice %arg31[%dma_wait3A_483] : memref<10240xf32, #tpu.memory_space<vmem_shared>> -> memref<10240xf32, #tpu.memory_space<vmem_shared>>
          tpu.wait_indirect_dma semaphore(%arg29 : memref<!tpu.dma_semaphore, #tpu.memory_space<semaphore_mem>>) src(%arg14 : memref<128xf32, #tpu.memory_space<vmem>>) dst(%dma_wait3A_484 : memref<10240xf32, #tpu.memory_space<vmem_shared>>)
        } else {
        }
        %add3A_463 = arith.constant 2 : i32
        %add3A_464 = arith.addi %add3A_390, %add3A_463 : i32
        %mul3A_465 = arith.constant 128 : i32
        %mul3A_466 = arith.muli %add3A_464, %mul3A_465 : i32
        %add3A_467 = arith.addi %mul3A_6, %mul3A_466 : i32
        %dma_start3A_468 = arith.constant 0 : i32
        %dma_start3A_469 = tpu.memref_slice %arg3[%dma_start3A_468, %add3A_467] : memref<2x320000xi32, #tpu.memory_space<hbm>> -> memref<1x128xi32, #tpu.memory_space<hbm>>
        %dma_start3A_470 = tpu.memref_squeeze %dma_start3A_469 : memref<1x128xi32, #tpu.memory_space<hbm>> -> memref<128xi32, #tpu.memory_space<hbm>>
        %dma_start3A_471 = tpu.memref_slice %arg3[%dma_start3A_468, %add3A_467] : memref<2x320000xi32, #tpu.memory_space<hbm>> -> memref<1x128xi32, #tpu.memory_space<hbm>>
        %dma_start3A_472 = tpu.memref_squeeze %dma_start3A_471 : memref<1x128xi32, #tpu.memory_space<hbm>> -> memref<128xi32, #tpu.memory_space<hbm>>
        tpu.enqueue_dma source(%dma_start3A_472 : memref<128xi32, #tpu.memory_space<hbm>>) target(%arg7 : memref<128xi32, #tpu.memory_space<vmem>>) target_semaphore(%arg19 : memref<!tpu.dma_semaphore, #tpu.memory_space<semaphore_mem>>)
        %add3A_473 = arith.constant 2 : i32
        %add3A_474 = arith.addi %add3A_390, %add3A_473 : i32
        %mul3A_475 = arith.constant 128 : i32
        %mul3A_476 = arith.muli %add3A_474, %mul3A_475 : i32
        %add3A_477 = arith.addi %mul3A_6, %mul3A_476 : i32
        %dma_start3A_478 = arith.constant 1 : i32
        %dma_start3A_479 = tpu.memref_slice %arg3[%dma_start3A_478, %add3A_477] : memref<2x320000xi32, #tpu.memory_space<hbm>> -> memref<1x128xi32, #tpu.memory_space<hbm>>
        %dma_start3A_480 = tpu.memref_squeeze %dma_start3A_479 : memref<1x128xi32, #tpu.memory_space<hbm>> -> memref<128xi32, #tpu.memory_space<hbm>>
        %dma_start3A_481 = tpu.memref_slice %arg3[%dma_start3A_478, %add3A_477] : memref<2x320000xi32, #tpu.memory_space<hbm>> -> memref<1x128xi32, #tpu.memory_space<hbm>>
        %dma_start3A_482 = tpu.memref_squeeze %dma_start3A_481 : memref<1x128xi32, #tpu.memory_space<hbm>> -> memref<128xi32, #tpu.memory_space<hbm>>
        tpu.enqueue_dma source(%dma_start3A_482 : memref<128xi32, #tpu.memory_space<hbm>>) target(%arg11 : memref<128xi32, #tpu.memory_space<vmem>>) target_semaphore(%arg23 : memref<!tpu.dma_semaphore, #tpu.memory_space<semaphore_mem>>)
      } else {
      }
      %mul3A_411 = arith.constant 4 : i32
      %mul3A_412 = arith.muli %mul3A_411, %scan3A_362 : i32
      %add3A_413 = arith.constant 2 : i32
      %add3A_414 = arith.addi %mul3A_412, %add3A_413 : i32
      %dma_wait3A_415 = arith.constant 0 : i32
      %dma_wait3A_416 = arith.constant 0 : i32
      %dma_wait3A_417 = tpu.memref_slice %arg2[%dma_wait3A_415, %dma_wait3A_416] : memref<10000x128xf32, #tpu.memory_space<hbm>> -> memref<10000x128xf32, #tpu.memory_space<hbm>>
      tpu.wait_indirect_dma semaphore(%arg16 : memref<!tpu.dma_semaphore, #tpu.memory_space<semaphore_mem>>) src(%dma_wait3A_417 : memref<10000x128xf32, #tpu.memory_space<hbm>>) dst(%arg12 : memref<128x128xf32, #tpu.memory_space<vmem>>)
      %add3A_418 = arith.constant 1 : i32
      %add3A_419 = arith.addi %add3A_414, %add3A_418 : i32
      %lt3A_420 = arith.cmpi slt, %add3A_419, %add3A_10 : i32
      %convert_element_type3A_421 = arith.extui %lt3A_420 : i1 to i32
      %cond3A_422 = arith.constant 0 : i32
      %cond3A_423 = arith.cmpi ne, %convert_element_type3A_421, %cond3A_422 : i32
      scf.if %cond3A_423 {
        %add3A_459 = arith.constant 1 : i32
        %add3A_460 = arith.addi %add3A_414, %add3A_459 : i32
        %mul3A_461 = arith.constant 128 : i32
        %mul3A_462 = arith.muli %add3A_460, %mul3A_461 : i32
        %add3A_463 = arith.addi %mul3A_6, %mul3A_462 : i32
        %dma_wait3A_464 = arith.constant 0 : i32
        %dma_wait3A_465 = tpu.memref_slice %arg3[%dma_wait3A_464, %add3A_463] : memref<2x320000xi32, #tpu.memory_space<hbm>> -> memref<1x128xi32, #tpu.memory_space<hbm>>
        %dma_wait3A_466 = tpu.memref_squeeze %dma_wait3A_465 : memref<1x128xi32, #tpu.memory_space<hbm>> -> memref<128xi32, #tpu.memory_space<hbm>>
        %dma_wait3A_467 = tpu.memref_slice %arg3[%dma_wait3A_464, %add3A_463] : memref<2x320000xi32, #tpu.memory_space<hbm>> -> memref<1x128xi32, #tpu.memory_space<hbm>>
        %dma_wait3A_468 = tpu.memref_squeeze %dma_wait3A_467 : memref<1x128xi32, #tpu.memory_space<hbm>> -> memref<128xi32, #tpu.memory_space<hbm>>
        tpu.wait_dma2 semaphore(%arg19 : memref<!tpu.dma_semaphore, #tpu.memory_space<semaphore_mem>>) src(%dma_wait3A_468 : memref<128xi32, #tpu.memory_space<hbm>>) dst(%arg7 : memref<128xi32, #tpu.memory_space<vmem>>)
        %add3A_469 = arith.constant 1 : i32
        %add3A_470 = arith.addi %add3A_414, %add3A_469 : i32
        %mul3A_471 = arith.constant 128 : i32
        %mul3A_472 = arith.muli %add3A_470, %mul3A_471 : i32
        %add3A_473 = arith.addi %mul3A_6, %mul3A_472 : i32
        %dma_wait3A_474 = arith.constant 1 : i32
        %dma_wait3A_475 = tpu.memref_slice %arg3[%dma_wait3A_474, %add3A_473] : memref<2x320000xi32, #tpu.memory_space<hbm>> -> memref<1x128xi32, #tpu.memory_space<hbm>>
        %dma_wait3A_476 = tpu.memref_squeeze %dma_wait3A_475 : memref<1x128xi32, #tpu.memory_space<hbm>> -> memref<128xi32, #tpu.memory_space<hbm>>
        %dma_wait3A_477 = tpu.memref_slice %arg3[%dma_wait3A_474, %add3A_473] : memref<2x320000xi32, #tpu.memory_space<hbm>> -> memref<1x128xi32, #tpu.memory_space<hbm>>
        %dma_wait3A_478 = tpu.memref_squeeze %dma_wait3A_477 : memref<1x128xi32, #tpu.memory_space<hbm>> -> memref<128xi32, #tpu.memory_space<hbm>>
        tpu.wait_dma2 semaphore(%arg23 : memref<!tpu.dma_semaphore, #tpu.memory_space<semaphore_mem>>) src(%dma_wait3A_478 : memref<128xi32, #tpu.memory_space<hbm>>) dst(%arg11 : memref<128xi32, #tpu.memory_space<vmem>>)
        %ge3A = arith.constant 1 : i32
        %ge3A_479 = arith.cmpi sge, %add3A_414, %ge3A : i32
        %convert_element_type3A_480 = arith.extui %ge3A_479 : i1 to i32
        %cond3A_481 = arith.constant 0 : i32
        %cond3A_482 = arith.cmpi ne, %convert_element_type3A_480, %cond3A_481 : i32
        scf.if %cond3A_482 {
          %dma_wait3A_486 = arith.constant 0 : i32
          %dma_wait3A_487 = arith.constant 0 : i32
          %dma_wait3A_488 = tpu.memref_slice %arg30[%dma_wait3A_486, %dma_wait3A_487] : memref<10240x128xf32, #tpu.memory_space<vmem_shared>> -> memref<10240x128xf32, #tpu.memory_space<vmem_shared>>
          tpu.wait_indirect_dma semaphore(%arg25 : memref<!tpu.dma_semaphore, #tpu.memory_space<semaphore_mem>>) src(%arg13 : memref<128x128xf32, #tpu.memory_space<vmem>>) dst(%dma_wait3A_488 : memref<10240x128xf32, #tpu.memory_space<vmem_shared>>)
        } else {
        }
        %dma_start3A_483 = arith.constant 0 : i32
        %dma_start3A_484 = arith.constant 0 : i32
        %dma_start3A_485 = tpu.memref_slice %arg2[%dma_start3A_483, %dma_start3A_484] : memref<10000x128xf32, #tpu.memory_space<hbm>> -> memref<10000x128xf32, #tpu.memory_space<hbm>>
        tpu.enqueue_indirect_dma source(%dma_start3A_485 : memref<10000x128xf32, #tpu.memory_space<hbm>>) target(%arg13 : memref<128x128xf32, #tpu.memory_space<vmem>>) offsets(%arg7 : memref<128xi32, #tpu.memory_space<vmem>>) semaphore(%arg17 : memref<!tpu.dma_semaphore, #tpu.memory_space<semaphore_mem>>)
      } else {
      }
      %dma_start3A_424 = arith.constant 0 : i32
      %dma_start3A_425 = arith.constant 0 : i32
      %dma_start3A_426 = tpu.memref_slice %arg30[%dma_start3A_424, %dma_start3A_425] : memref<10240x128xf32, #tpu.memory_space<vmem_shared>> -> memref<10240x128xf32, #tpu.memory_space<vmem_shared>>
      tpu.enqueue_indirect_dma source(%arg12 : memref<128x128xf32, #tpu.memory_space<vmem>>) target(%dma_start3A_426 : memref<10240x128xf32, #tpu.memory_space<vmem_shared>>) offsets(%arg10 : memref<128xi32, #tpu.memory_space<vmem>>) semaphore(%arg24 : memref<!tpu.dma_semaphore, #tpu.memory_space<semaphore_mem>>) {add = true}
      %dma_start3A_427 = arith.constant 0 : i32
      %dma_start3A_428 = tpu.memref_slice %arg31[%dma_start3A_427] : memref<10240xf32, #tpu.memory_space<vmem_shared>> -> memref<10240xf32, #tpu.memory_space<vmem_shared>>
      tpu.enqueue_indirect_dma source(%arg14 : memref<128xf32, #tpu.memory_space<vmem>>) target(%dma_start3A_428 : memref<10240xf32, #tpu.memory_space<vmem_shared>>) offsets(%arg10 : memref<128xi32, #tpu.memory_space<vmem>>) semaphore(%arg28 : memref<!tpu.dma_semaphore, #tpu.memory_space<semaphore_mem>>) {add = true}
      %add3A_429 = arith.constant 2 : i32
      %add3A_430 = arith.addi %add3A_414, %add3A_429 : i32
      %lt3A_431 = arith.cmpi slt, %add3A_430, %add3A_10 : i32
      %convert_element_type3A_432 = arith.extui %lt3A_431 : i1 to i32
      %cond3A_433 = arith.constant 0 : i32
      %cond3A_434 = arith.cmpi ne, %convert_element_type3A_432, %cond3A_433 : i32
      scf.if %cond3A_434 {
        %ge3A = arith.constant 2 : i32
        %ge3A_459 = arith.cmpi sge, %add3A_414, %ge3A : i32
        %convert_element_type3A_460 = arith.extui %ge3A_459 : i1 to i32
        %cond3A_461 = arith.constant 0 : i32
        %cond3A_462 = arith.cmpi ne, %convert_element_type3A_460, %cond3A_461 : i32
        scf.if %cond3A_462 {
          %dma_wait3A_483 = arith.constant 0 : i32
          %dma_wait3A_484 = tpu.memref_slice %arg31[%dma_wait3A_483] : memref<10240xf32, #tpu.memory_space<vmem_shared>> -> memref<10240xf32, #tpu.memory_space<vmem_shared>>
          tpu.wait_indirect_dma semaphore(%arg26 : memref<!tpu.dma_semaphore, #tpu.memory_space<semaphore_mem>>) src(%arg14 : memref<128xf32, #tpu.memory_space<vmem>>) dst(%dma_wait3A_484 : memref<10240xf32, #tpu.memory_space<vmem_shared>>)
        } else {
        }
        %add3A_463 = arith.constant 2 : i32
        %add3A_464 = arith.addi %add3A_414, %add3A_463 : i32
        %mul3A_465 = arith.constant 128 : i32
        %mul3A_466 = arith.muli %add3A_464, %mul3A_465 : i32
        %add3A_467 = arith.addi %mul3A_6, %mul3A_466 : i32
        %dma_start3A_468 = arith.constant 0 : i32
        %dma_start3A_469 = tpu.memref_slice %arg3[%dma_start3A_468, %add3A_467] : memref<2x320000xi32, #tpu.memory_space<hbm>> -> memref<1x128xi32, #tpu.memory_space<hbm>>
        %dma_start3A_470 = tpu.memref_squeeze %dma_start3A_469 : memref<1x128xi32, #tpu.memory_space<hbm>> -> memref<128xi32, #tpu.memory_space<hbm>>
        %dma_start3A_471 = tpu.memref_slice %arg3[%dma_start3A_468, %add3A_467] : memref<2x320000xi32, #tpu.memory_space<hbm>> -> memref<1x128xi32, #tpu.memory_space<hbm>>
        %dma_start3A_472 = tpu.memref_squeeze %dma_start3A_471 : memref<1x128xi32, #tpu.memory_space<hbm>> -> memref<128xi32, #tpu.memory_space<hbm>>
        tpu.enqueue_dma source(%dma_start3A_472 : memref<128xi32, #tpu.memory_space<hbm>>) target(%arg6 : memref<128xi32, #tpu.memory_space<vmem>>) target_semaphore(%arg18 : memref<!tpu.dma_semaphore, #tpu.memory_space<semaphore_mem>>)
        %add3A_473 = arith.constant 2 : i32
        %add3A_474 = arith.addi %add3A_414, %add3A_473 : i32
        %mul3A_475 = arith.constant 128 : i32
        %mul3A_476 = arith.muli %add3A_474, %mul3A_475 : i32
        %add3A_477 = arith.addi %mul3A_6, %mul3A_476 : i32
        %dma_start3A_478 = arith.constant 1 : i32
        %dma_start3A_479 = tpu.memref_slice %arg3[%dma_start3A_478, %add3A_477] : memref<2x320000xi32, #tpu.memory_space<hbm>> -> memref<1x128xi32, #tpu.memory_space<hbm>>
        %dma_start3A_480 = tpu.memref_squeeze %dma_start3A_479 : memref<1x128xi32, #tpu.memory_space<hbm>> -> memref<128xi32, #tpu.memory_space<hbm>>
        %dma_start3A_481 = tpu.memref_slice %arg3[%dma_start3A_478, %add3A_477] : memref<2x320000xi32, #tpu.memory_space<hbm>> -> memref<1x128xi32, #tpu.memory_space<hbm>>
        %dma_start3A_482 = tpu.memref_squeeze %dma_start3A_481 : memref<1x128xi32, #tpu.memory_space<hbm>> -> memref<128xi32, #tpu.memory_space<hbm>>
        tpu.enqueue_dma source(%dma_start3A_482 : memref<128xi32, #tpu.memory_space<hbm>>) target(%arg8 : memref<128xi32, #tpu.memory_space<vmem>>) target_semaphore(%arg20 : memref<!tpu.dma_semaphore, #tpu.memory_space<semaphore_mem>>)
      } else {
      }
      %mul3A_435 = arith.constant 4 : i32
      %mul3A_436 = arith.muli %mul3A_435, %scan3A_362 : i32
      %add3A_437 = arith.constant 3 : i32
      %add3A_438 = arith.addi %mul3A_436, %add3A_437 : i32
      %dma_wait3A_439 = arith.constant 0 : i32
      %dma_wait3A_440 = arith.constant 0 : i32
      %dma_wait3A_441 = tpu.memref_slice %arg2[%dma_wait3A_439, %dma_wait3A_440] : memref<10000x128xf32, #tpu.memory_space<hbm>> -> memref<10000x128xf32, #tpu.memory_space<hbm>>
      tpu.wait_indirect_dma semaphore(%arg17 : memref<!tpu.dma_semaphore, #tpu.memory_space<semaphore_mem>>) src(%dma_wait3A_441 : memref<10000x128xf32, #tpu.memory_space<hbm>>) dst(%arg13 : memref<128x128xf32, #tpu.memory_space<vmem>>)
      %add3A_442 = arith.constant 1 : i32
      %add3A_443 = arith.addi %add3A_438, %add3A_442 : i32
      %lt3A_444 = arith.cmpi slt, %add3A_443, %add3A_10 : i32
      %convert_element_type3A_445 = arith.extui %lt3A_444 : i1 to i32
      %cond3A_446 = arith.constant 0 : i32
      %cond3A_447 = arith.cmpi ne, %convert_element_type3A_445, %cond3A_446 : i32
      scf.if %cond3A_447 {
        %add3A_459 = arith.constant 1 : i32
        %add3A_460 = arith.addi %add3A_438, %add3A_459 : i32
        %mul3A_461 = arith.constant 128 : i32
        %mul3A_462 = arith.muli %add3A_460, %mul3A_461 : i32
        %add3A_463 = arith.addi %mul3A_6, %mul3A_462 : i32
        %dma_wait3A_464 = arith.constant 0 : i32
        %dma_wait3A_465 = tpu.memref_slice %arg3[%dma_wait3A_464, %add3A_463] : memref<2x320000xi32, #tpu.memory_space<hbm>> -> memref<1x128xi32, #tpu.memory_space<hbm>>
        %dma_wait3A_466 = tpu.memref_squeeze %dma_wait3A_465 : memref<1x128xi32, #tpu.memory_space<hbm>> -> memref<128xi32, #tpu.memory_space<hbm>>
        %dma_wait3A_467 = tpu.memref_slice %arg3[%dma_wait3A_464, %add3A_463] : memref<2x320000xi32, #tpu.memory_space<hbm>> -> memref<1x128xi32, #tpu.memory_space<hbm>>
        %dma_wait3A_468 = tpu.memref_squeeze %dma_wait3A_467 : memref<1x128xi32, #tpu.memory_space<hbm>> -> memref<128xi32, #tpu.memory_space<hbm>>
        tpu.wait_dma2 semaphore(%arg18 : memref<!tpu.dma_semaphore, #tpu.memory_space<semaphore_mem>>) src(%dma_wait3A_468 : memref<128xi32, #tpu.memory_space<hbm>>) dst(%arg6 : memref<128xi32, #tpu.memory_space<vmem>>)
        %add3A_469 = arith.constant 1 : i32
        %add3A_470 = arith.addi %add3A_438, %add3A_469 : i32
        %mul3A_471 = arith.constant 128 : i32
        %mul3A_472 = arith.muli %add3A_470, %mul3A_471 : i32
        %add3A_473 = arith.addi %mul3A_6, %mul3A_472 : i32
        %dma_wait3A_474 = arith.constant 1 : i32
        %dma_wait3A_475 = tpu.memref_slice %arg3[%dma_wait3A_474, %add3A_473] : memref<2x320000xi32, #tpu.memory_space<hbm>> -> memref<1x128xi32, #tpu.memory_space<hbm>>
        %dma_wait3A_476 = tpu.memref_squeeze %dma_wait3A_475 : memref<1x128xi32, #tpu.memory_space<hbm>> -> memref<128xi32, #tpu.memory_space<hbm>>
        %dma_wait3A_477 = tpu.memref_slice %arg3[%dma_wait3A_474, %add3A_473] : memref<2x320000xi32, #tpu.memory_space<hbm>> -> memref<1x128xi32, #tpu.memory_space<hbm>>
        %dma_wait3A_478 = tpu.memref_squeeze %dma_wait3A_477 : memref<1x128xi32, #tpu.memory_space<hbm>> -> memref<128xi32, #tpu.memory_space<hbm>>
        tpu.wait_dma2 semaphore(%arg20 : memref<!tpu.dma_semaphore, #tpu.memory_space<semaphore_mem>>) src(%dma_wait3A_478 : memref<128xi32, #tpu.memory_space<hbm>>) dst(%arg8 : memref<128xi32, #tpu.memory_space<vmem>>)
        %ge3A = arith.constant 1 : i32
        %ge3A_479 = arith.cmpi sge, %add3A_438, %ge3A : i32
        %convert_element_type3A_480 = arith.extui %ge3A_479 : i1 to i32
        %cond3A_481 = arith.constant 0 : i32
        %cond3A_482 = arith.cmpi ne, %convert_element_type3A_480, %cond3A_481 : i32
        scf.if %cond3A_482 {
          %dma_wait3A_486 = arith.constant 0 : i32
          %dma_wait3A_487 = arith.constant 0 : i32
          %dma_wait3A_488 = tpu.memref_slice %arg30[%dma_wait3A_486, %dma_wait3A_487] : memref<10240x128xf32, #tpu.memory_space<vmem_shared>> -> memref<10240x128xf32, #tpu.memory_space<vmem_shared>>
          tpu.wait_indirect_dma semaphore(%arg24 : memref<!tpu.dma_semaphore, #tpu.memory_space<semaphore_mem>>) src(%arg12 : memref<128x128xf32, #tpu.memory_space<vmem>>) dst(%dma_wait3A_488 : memref<10240x128xf32, #tpu.memory_space<vmem_shared>>)
        } else {
        }
        %dma_start3A_483 = arith.constant 0 : i32
        %dma_start3A_484 = arith.constant 0 : i32
        %dma_start3A_485 = tpu.memref_slice %arg2[%dma_start3A_483, %dma_start3A_484] : memref<10000x128xf32, #tpu.memory_space<hbm>> -> memref<10000x128xf32, #tpu.memory_space<hbm>>
        tpu.enqueue_indirect_dma source(%dma_start3A_485 : memref<10000x128xf32, #tpu.memory_space<hbm>>) target(%arg12 : memref<128x128xf32, #tpu.memory_space<vmem>>) offsets(%arg6 : memref<128xi32, #tpu.memory_space<vmem>>) semaphore(%arg16 : memref<!tpu.dma_semaphore, #tpu.memory_space<semaphore_mem>>)
      } else {
      }
      %dma_start3A_448 = arith.constant 0 : i32
      %dma_start3A_449 = arith.constant 0 : i32
      %dma_start3A_450 = tpu.memref_slice %arg30[%dma_start3A_448, %dma_start3A_449] : memref<10240x128xf32, #tpu.memory_space<vmem_shared>> -> memref<10240x128xf32, #tpu.memory_space<vmem_shared>>
      tpu.enqueue_indirect_dma source(%arg13 : memref<128x128xf32, #tpu.memory_space<vmem>>) target(%dma_start3A_450 : memref<10240x128xf32, #tpu.memory_space<vmem_shared>>) offsets(%arg11 : memref<128xi32, #tpu.memory_space<vmem>>) semaphore(%arg25 : memref<!tpu.dma_semaphore, #tpu.memory_space<semaphore_mem>>) {add = true}
      %dma_start3A_451 = arith.constant 0 : i32
      %dma_start3A_452 = tpu.memref_slice %arg31[%dma_start3A_451] : memref<10240xf32, #tpu.memory_space<vmem_shared>> -> memref<10240xf32, #tpu.memory_space<vmem_shared>>
      tpu.enqueue_indirect_dma source(%arg14 : memref<128xf32, #tpu.memory_space<vmem>>) target(%dma_start3A_452 : memref<10240xf32, #tpu.memory_space<vmem_shared>>) offsets(%arg11 : memref<128xi32, #tpu.memory_space<vmem>>) semaphore(%arg29 : memref<!tpu.dma_semaphore, #tpu.memory_space<semaphore_mem>>) {add = true}
      %add3A_453 = arith.constant 2 : i32
      %add3A_454 = arith.addi %add3A_438, %add3A_453 : i32
      %lt3A_455 = arith.cmpi slt, %add3A_454, %add3A_10 : i32
      %convert_element_type3A_456 = arith.extui %lt3A_455 : i1 to i32
      %cond3A_457 = arith.constant 0 : i32
      %cond3A_458 = arith.cmpi ne, %convert_element_type3A_456, %cond3A_457 : i32
      scf.if %cond3A_458 {
        %ge3A = arith.constant 2 : i32
        %ge3A_459 = arith.cmpi sge, %add3A_438, %ge3A : i32
        %convert_element_type3A_460 = arith.extui %ge3A_459 : i1 to i32
        %cond3A_461 = arith.constant 0 : i32
        %cond3A_462 = arith.cmpi ne, %convert_element_type3A_460, %cond3A_461 : i32
        scf.if %cond3A_462 {
          %dma_wait3A_483 = arith.constant 0 : i32
          %dma_wait3A_484 = tpu.memref_slice %arg31[%dma_wait3A_483] : memref<10240xf32, #tpu.memory_space<vmem_shared>> -> memref<10240xf32, #tpu.memory_space<vmem_shared>>
          tpu.wait_indirect_dma semaphore(%arg27 : memref<!tpu.dma_semaphore, #tpu.memory_space<semaphore_mem>>) src(%arg14 : memref<128xf32, #tpu.memory_space<vmem>>) dst(%dma_wait3A_484 : memref<10240xf32, #tpu.memory_space<vmem_shared>>)
        } else {
        }
        %add3A_463 = arith.constant 2 : i32
        %add3A_464 = arith.addi %add3A_438, %add3A_463 : i32
        %mul3A_465 = arith.constant 128 : i32
        %mul3A_466 = arith.muli %add3A_464, %mul3A_465 : i32
        %add3A_467 = arith.addi %mul3A_6, %mul3A_466 : i32
        %dma_start3A_468 = arith.constant 0 : i32
        %dma_start3A_469 = tpu.memref_slice %arg3[%dma_start3A_468, %add3A_467] : memref<2x320000xi32, #tpu.memory_space<hbm>> -> memref<1x128xi32, #tpu.memory_space<hbm>>
        %dma_start3A_470 = tpu.memref_squeeze %dma_start3A_469 : memref<1x128xi32, #tpu.memory_space<hbm>> -> memref<128xi32, #tpu.memory_space<hbm>>
        %dma_start3A_471 = tpu.memref_slice %arg3[%dma_start3A_468, %add3A_467] : memref<2x320000xi32, #tpu.memory_space<hbm>> -> memref<1x128xi32, #tpu.memory_space<hbm>>
        %dma_start3A_472 = tpu.memref_squeeze %dma_start3A_471 : memref<1x128xi32, #tpu.memory_space<hbm>> -> memref<128xi32, #tpu.memory_space<hbm>>
        tpu.enqueue_dma source(%dma_start3A_472 : memref<128xi32, #tpu.memory_space<hbm>>) target(%arg7 : memref<128xi32, #tpu.memory_space<vmem>>) target_semaphore(%arg19 : memref<!tpu.dma_semaphore, #tpu.memory_space<semaphore_mem>>)
        %add3A_473 = arith.constant 2 : i32
        %add3A_474 = arith.addi %add3A_438, %add3A_473 : i32
        %mul3A_475 = arith.constant 128 : i32
        %mul3A_476 = arith.muli %add3A_474, %mul3A_475 : i32
        %add3A_477 = arith.addi %mul3A_6, %mul3A_476 : i32
        %dma_start3A_478 = arith.constant 1 : i32
        %dma_start3A_479 = tpu.memref_slice %arg3[%dma_start3A_478, %add3A_477] : memref<2x320000xi32, #tpu.memory_space<hbm>> -> memref<1x128xi32, #tpu.memory_space<hbm>>
        %dma_start3A_480 = tpu.memref_squeeze %dma_start3A_479 : memref<1x128xi32, #tpu.memory_space<hbm>> -> memref<128xi32, #tpu.memory_space<hbm>>
        %dma_start3A_481 = tpu.memref_slice %arg3[%dma_start3A_478, %add3A_477] : memref<2x320000xi32, #tpu.memory_space<hbm>> -> memref<1x128xi32, #tpu.memory_space<hbm>>
        %dma_start3A_482 = tpu.memref_squeeze %dma_start3A_481 : memref<1x128xi32, #tpu.memory_space<hbm>> -> memref<128xi32, #tpu.memory_space<hbm>>
        tpu.enqueue_dma source(%dma_start3A_482 : memref<128xi32, #tpu.memory_space<hbm>>) target(%arg9 : memref<128xi32, #tpu.memory_space<vmem>>) target_semaphore(%arg21 : memref<!tpu.dma_semaphore, #tpu.memory_space<semaphore_mem>>)
      } else {
      }
    }
    %scan3A_267 = arith.constant 19 : i32
    %dma_wait3A = arith.constant 0 : i32
    %dma_wait3A_268 = arith.constant 0 : i32
    %dma_wait3A_269 = tpu.memref_slice %arg2[%dma_wait3A, %dma_wait3A_268] : memref<10000x128xf32, #tpu.memory_space<hbm>> -> memref<10000x128xf32, #tpu.memory_space<hbm>>
    tpu.wait_indirect_dma semaphore(%arg16 : memref<!tpu.dma_semaphore, #tpu.memory_space<semaphore_mem>>) src(%dma_wait3A_269 : memref<10000x128xf32, #tpu.memory_space<hbm>>) dst(%arg12 : memref<128x128xf32, #tpu.memory_space<vmem>>)
    %gt3A = arith.constant 77 : i32
    %gt3A_270 = arith.cmpi sgt, %add3A_10, %gt3A : i32
    %convert_element_type3A = arith.extui %gt3A_270 : i1 to i32
    %cond3A = arith.constant 0 : i32
    %cond3A_271 = arith.cmpi ne, %convert_element_type3A, %cond3A : i32
    scf.if %cond3A_271 {
      %add3A_362 = arith.constant 9856 : i32
      %add3A_363 = arith.addi %mul3A_6, %add3A_362 : i32
      %dma_wait3A_364 = arith.constant 0 : i32
      %dma_wait3A_365 = tpu.memref_slice %arg3[%dma_wait3A_364, %add3A_363] : memref<2x320000xi32, #tpu.memory_space<hbm>> -> memref<1x128xi32, #tpu.memory_space<hbm>>
      %dma_wait3A_366 = tpu.memref_squeeze %dma_wait3A_365 : memref<1x128xi32, #tpu.memory_space<hbm>> -> memref<128xi32, #tpu.memory_space<hbm>>
      %dma_wait3A_367 = tpu.memref_slice %arg3[%dma_wait3A_364, %add3A_363] : memref<2x320000xi32, #tpu.memory_space<hbm>> -> memref<1x128xi32, #tpu.memory_space<hbm>>
      %dma_wait3A_368 = tpu.memref_squeeze %dma_wait3A_367 : memref<1x128xi32, #tpu.memory_space<hbm>> -> memref<128xi32, #tpu.memory_space<hbm>>
      tpu.wait_dma2 semaphore(%arg19 : memref<!tpu.dma_semaphore, #tpu.memory_space<semaphore_mem>>) src(%dma_wait3A_368 : memref<128xi32, #tpu.memory_space<hbm>>) dst(%arg7 : memref<128xi32, #tpu.memory_space<vmem>>)
      %add3A_369 = arith.constant 9856 : i32
      %add3A_370 = arith.addi %mul3A_6, %add3A_369 : i32
      %dma_wait3A_371 = arith.constant 1 : i32
      %dma_wait3A_372 = tpu.memref_slice %arg3[%dma_wait3A_371, %add3A_370] : memref<2x320000xi32, #tpu.memory_space<hbm>> -> memref<1x128xi32, #tpu.memory_space<hbm>>
      %dma_wait3A_373 = tpu.memref_squeeze %dma_wait3A_372 : memref<1x128xi32, #tpu.memory_space<hbm>> -> memref<128xi32, #tpu.memory_space<hbm>>
      %dma_wait3A_374 = tpu.memref_slice %arg3[%dma_wait3A_371, %add3A_370] : memref<2x320000xi32, #tpu.memory_space<hbm>> -> memref<1x128xi32, #tpu.memory_space<hbm>>
      %dma_wait3A_375 = tpu.memref_squeeze %dma_wait3A_374 : memref<1x128xi32, #tpu.memory_space<hbm>> -> memref<128xi32, #tpu.memory_space<hbm>>
      tpu.wait_dma2 semaphore(%arg21 : memref<!tpu.dma_semaphore, #tpu.memory_space<semaphore_mem>>) src(%dma_wait3A_375 : memref<128xi32, #tpu.memory_space<hbm>>) dst(%arg9 : memref<128xi32, #tpu.memory_space<vmem>>)
      %dma_wait3A_376 = arith.constant 0 : i32
      %dma_wait3A_377 = arith.constant 0 : i32
      %dma_wait3A_378 = tpu.memref_slice %arg30[%dma_wait3A_376, %dma_wait3A_377] : memref<10240x128xf32, #tpu.memory_space<vmem_shared>> -> memref<10240x128xf32, #tpu.memory_space<vmem_shared>>
      tpu.wait_indirect_dma semaphore(%arg25 : memref<!tpu.dma_semaphore, #tpu.memory_space<semaphore_mem>>) src(%arg13 : memref<128x128xf32, #tpu.memory_space<vmem>>) dst(%dma_wait3A_378 : memref<10240x128xf32, #tpu.memory_space<vmem_shared>>)
      %dma_start3A_379 = arith.constant 0 : i32
      %dma_start3A_380 = arith.constant 0 : i32
      %dma_start3A_381 = tpu.memref_slice %arg2[%dma_start3A_379, %dma_start3A_380] : memref<10000x128xf32, #tpu.memory_space<hbm>> -> memref<10000x128xf32, #tpu.memory_space<hbm>>
      tpu.enqueue_indirect_dma source(%dma_start3A_381 : memref<10000x128xf32, #tpu.memory_space<hbm>>) target(%arg13 : memref<128x128xf32, #tpu.memory_space<vmem>>) offsets(%arg7 : memref<128xi32, #tpu.memory_space<vmem>>) semaphore(%arg17 : memref<!tpu.dma_semaphore, #tpu.memory_space<semaphore_mem>>)
    } else {
    }
    %dma_start3A_272 = arith.constant 0 : i32
    %dma_start3A_273 = arith.constant 0 : i32
    %dma_start3A_274 = tpu.memref_slice %arg30[%dma_start3A_272, %dma_start3A_273] : memref<10240x128xf32, #tpu.memory_space<vmem_shared>> -> memref<10240x128xf32, #tpu.memory_space<vmem_shared>>
    tpu.enqueue_indirect_dma source(%arg12 : memref<128x128xf32, #tpu.memory_space<vmem>>) target(%dma_start3A_274 : memref<10240x128xf32, #tpu.memory_space<vmem_shared>>) offsets(%arg8 : memref<128xi32, #tpu.memory_space<vmem>>) semaphore(%arg24 : memref<!tpu.dma_semaphore, #tpu.memory_space<semaphore_mem>>) {add = true}
    %dma_start3A_275 = arith.constant 0 : i32
    %dma_start3A_276 = tpu.memref_slice %arg31[%dma_start3A_275] : memref<10240xf32, #tpu.memory_space<vmem_shared>> -> memref<10240xf32, #tpu.memory_space<vmem_shared>>
    tpu.enqueue_indirect_dma source(%arg14 : memref<128xf32, #tpu.memory_space<vmem>>) target(%dma_start3A_276 : memref<10240xf32, #tpu.memory_space<vmem_shared>>) offsets(%arg8 : memref<128xi32, #tpu.memory_space<vmem>>) semaphore(%arg26 : memref<!tpu.dma_semaphore, #tpu.memory_space<semaphore_mem>>) {add = true}
    %gt3A_277 = arith.constant 78 : i32
    %gt3A_278 = arith.cmpi sgt, %add3A_10, %gt3A_277 : i32
    %convert_element_type3A_279 = arith.extui %gt3A_278 : i1 to i32
    %cond3A_280 = arith.constant 0 : i32
    %cond3A_281 = arith.cmpi ne, %convert_element_type3A_279, %cond3A_280 : i32
    scf.if %cond3A_281 {
      %dma_wait3A_362 = arith.constant 0 : i32
      %dma_wait3A_363 = tpu.memref_slice %arg31[%dma_wait3A_362] : memref<10240xf32, #tpu.memory_space<vmem_shared>> -> memref<10240xf32, #tpu.memory_space<vmem_shared>>
      tpu.wait_indirect_dma semaphore(%arg28 : memref<!tpu.dma_semaphore, #tpu.memory_space<semaphore_mem>>) src(%arg14 : memref<128xf32, #tpu.memory_space<vmem>>) dst(%dma_wait3A_363 : memref<10240xf32, #tpu.memory_space<vmem_shared>>)
      %add3A_364 = arith.constant 9984 : i32
      %add3A_365 = arith.addi %mul3A_6, %add3A_364 : i32
      %dma_start3A_366 = arith.constant 0 : i32
      %dma_start3A_367 = tpu.memref_slice %arg3[%dma_start3A_366, %add3A_365] : memref<2x320000xi32, #tpu.memory_space<hbm>> -> memref<1x128xi32, #tpu.memory_space<hbm>>
      %dma_start3A_368 = tpu.memref_squeeze %dma_start3A_367 : memref<1x128xi32, #tpu.memory_space<hbm>> -> memref<128xi32, #tpu.memory_space<hbm>>
      %dma_start3A_369 = tpu.memref_slice %arg3[%dma_start3A_366, %add3A_365] : memref<2x320000xi32, #tpu.memory_space<hbm>> -> memref<1x128xi32, #tpu.memory_space<hbm>>
      %dma_start3A_370 = tpu.memref_squeeze %dma_start3A_369 : memref<1x128xi32, #tpu.memory_space<hbm>> -> memref<128xi32, #tpu.memory_space<hbm>>
      tpu.enqueue_dma source(%dma_start3A_370 : memref<128xi32, #tpu.memory_space<hbm>>) target(%arg6 : memref<128xi32, #tpu.memory_space<vmem>>) target_semaphore(%arg18 : memref<!tpu.dma_semaphore, #tpu.memory_space<semaphore_mem>>)
      %add3A_371 = arith.constant 9984 : i32
      %add3A_372 = arith.addi %mul3A_6, %add3A_371 : i32
      %dma_start3A_373 = arith.constant 1 : i32
      %dma_start3A_374 = tpu.memref_slice %arg3[%dma_start3A_373, %add3A_372] : memref<2x320000xi32, #tpu.memory_space<hbm>> -> memref<1x128xi32, #tpu.memory_space<hbm>>
      %dma_start3A_375 = tpu.memref_squeeze %dma_start3A_374 : memref<1x128xi32, #tpu.memory_space<hbm>> -> memref<128xi32, #tpu.memory_space<hbm>>
      %dma_start3A_376 = tpu.memref_slice %arg3[%dma_start3A_373, %add3A_372] : memref<2x320000xi32, #tpu.memory_space<hbm>> -> memref<1x128xi32, #tpu.memory_space<hbm>>
      %dma_start3A_377 = tpu.memref_squeeze %dma_start3A_376 : memref<1x128xi32, #tpu.memory_space<hbm>> -> memref<128xi32, #tpu.memory_space<hbm>>
      tpu.enqueue_dma source(%dma_start3A_377 : memref<128xi32, #tpu.memory_space<hbm>>) target(%arg10 : memref<128xi32, #tpu.memory_space<vmem>>) target_semaphore(%arg22 : memref<!tpu.dma_semaphore, #tpu.memory_space<semaphore_mem>>)
    } else {
    }
    %dma_wait3A_282 = arith.constant 0 : i32
    %dma_wait3A_283 = arith.constant 0 : i32
    %dma_wait3A_284 = tpu.memref_slice %arg2[%dma_wait3A_282, %dma_wait3A_283] : memref<10000x128xf32, #tpu.memory_space<hbm>> -> memref<10000x128xf32, #tpu.memory_space<hbm>>
    tpu.wait_indirect_dma semaphore(%arg17 : memref<!tpu.dma_semaphore, #tpu.memory_space<semaphore_mem>>) src(%dma_wait3A_284 : memref<10000x128xf32, #tpu.memory_space<hbm>>) dst(%arg13 : memref<128x128xf32, #tpu.memory_space<vmem>>)
    %gt3A_285 = arith.constant 78 : i32
    %gt3A_286 = arith.cmpi sgt, %add3A_10, %gt3A_285 : i32
    %convert_element_type3A_287 = arith.extui %gt3A_286 : i1 to i32
    %cond3A_288 = arith.constant 0 : i32
    %cond3A_289 = arith.cmpi ne, %convert_element_type3A_287, %cond3A_288 : i32
    scf.if %cond3A_289 {
      %add3A_362 = arith.constant 9984 : i32
      %add3A_363 = arith.addi %mul3A_6, %add3A_362 : i32
      %dma_wait3A_364 = arith.constant 0 : i32
      %dma_wait3A_365 = tpu.memref_slice %arg3[%dma_wait3A_364, %add3A_363] : memref<2x320000xi32, #tpu.memory_space<hbm>> -> memref<1x128xi32, #tpu.memory_space<hbm>>
      %dma_wait3A_366 = tpu.memref_squeeze %dma_wait3A_365 : memref<1x128xi32, #tpu.memory_space<hbm>> -> memref<128xi32, #tpu.memory_space<hbm>>
      %dma_wait3A_367 = tpu.memref_slice %arg3[%dma_wait3A_364, %add3A_363] : memref<2x320000xi32, #tpu.memory_space<hbm>> -> memref<1x128xi32, #tpu.memory_space<hbm>>
      %dma_wait3A_368 = tpu.memref_squeeze %dma_wait3A_367 : memref<1x128xi32, #tpu.memory_space<hbm>> -> memref<128xi32, #tpu.memory_space<hbm>>
      tpu.wait_dma2 semaphore(%arg18 : memref<!tpu.dma_semaphore, #tpu.memory_space<semaphore_mem>>) src(%dma_wait3A_368 : memref<128xi32, #tpu.memory_space<hbm>>) dst(%arg6 : memref<128xi32, #tpu.memory_space<vmem>>)
      %add3A_369 = arith.constant 9984 : i32
      %add3A_370 = arith.addi %mul3A_6, %add3A_369 : i32
      %dma_wait3A_371 = arith.constant 1 : i32
      %dma_wait3A_372 = tpu.memref_slice %arg3[%dma_wait3A_371, %add3A_370] : memref<2x320000xi32, #tpu.memory_space<hbm>> -> memref<1x128xi32, #tpu.memory_space<hbm>>
      %dma_wait3A_373 = tpu.memref_squeeze %dma_wait3A_372 : memref<1x128xi32, #tpu.memory_space<hbm>> -> memref<128xi32, #tpu.memory_space<hbm>>
      %dma_wait3A_374 = tpu.memref_slice %arg3[%dma_wait3A_371, %add3A_370] : memref<2x320000xi32, #tpu.memory_space<hbm>> -> memref<1x128xi32, #tpu.memory_space<hbm>>
      %dma_wait3A_375 = tpu.memref_squeeze %dma_wait3A_374 : memref<1x128xi32, #tpu.memory_space<hbm>> -> memref<128xi32, #tpu.memory_space<hbm>>
      tpu.wait_dma2 semaphore(%arg22 : memref<!tpu.dma_semaphore, #tpu.memory_space<semaphore_mem>>) src(%dma_wait3A_375 : memref<128xi32, #tpu.memory_space<hbm>>) dst(%arg10 : memref<128xi32, #tpu.memory_space<vmem>>)
      %dma_wait3A_376 = arith.constant 0 : i32
      %dma_wait3A_377 = arith.constant 0 : i32
      %dma_wait3A_378 = tpu.memref_slice %arg30[%dma_wait3A_376, %dma_wait3A_377] : memref<10240x128xf32, #tpu.memory_space<vmem_shared>> -> memref<10240x128xf32, #tpu.memory_space<vmem_shared>>
      tpu.wait_indirect_dma semaphore(%arg24 : memref<!tpu.dma_semaphore, #tpu.memory_space<semaphore_mem>>) src(%arg12 : memref<128x128xf32, #tpu.memory_space<vmem>>) dst(%dma_wait3A_378 : memref<10240x128xf32, #tpu.memory_space<vmem_shared>>)
      %dma_start3A_379 = arith.constant 0 : i32
      %dma_start3A_380 = arith.constant 0 : i32
      %dma_start3A_381 = tpu.memref_slice %arg2[%dma_start3A_379, %dma_start3A_380] : memref<10000x128xf32, #tpu.memory_space<hbm>> -> memref<10000x128xf32, #tpu.memory_space<hbm>>
      tpu.enqueue_indirect_dma source(%dma_start3A_381 : memref<10000x128xf32, #tpu.memory_space<hbm>>) target(%arg12 : memref<128x128xf32, #tpu.memory_space<vmem>>) offsets(%arg6 : memref<128xi32, #tpu.memory_space<vmem>>) semaphore(%arg16 : memref<!tpu.dma_semaphore, #tpu.memory_space<semaphore_mem>>)
    } else {
    }
    %dma_start3A_290 = arith.constant 0 : i32
    %dma_start3A_291 = arith.constant 0 : i32
    %dma_start3A_292 = tpu.memref_slice %arg30[%dma_start3A_290, %dma_start3A_291] : memref<10240x128xf32, #tpu.memory_space<vmem_shared>> -> memref<10240x128xf32, #tpu.memory_space<vmem_shared>>
    tpu.enqueue_indirect_dma source(%arg13 : memref<128x128xf32, #tpu.memory_space<vmem>>) target(%dma_start3A_292 : memref<10240x128xf32, #tpu.memory_space<vmem_shared>>) offsets(%arg9 : memref<128xi32, #tpu.memory_space<vmem>>) semaphore(%arg25 : memref<!tpu.dma_semaphore, #tpu.memory_space<semaphore_mem>>) {add = true}
    %dma_start3A_293 = arith.constant 0 : i32
    %dma_start3A_294 = tpu.memref_slice %arg31[%dma_start3A_293] : memref<10240xf32, #tpu.memory_space<vmem_shared>> -> memref<10240xf32, #tpu.memory_space<vmem_shared>>
    tpu.enqueue_indirect_dma source(%arg14 : memref<128xf32, #tpu.memory_space<vmem>>) target(%dma_start3A_294 : memref<10240xf32, #tpu.memory_space<vmem_shared>>) offsets(%arg9 : memref<128xi32, #tpu.memory_space<vmem>>) semaphore(%arg27 : memref<!tpu.dma_semaphore, #tpu.memory_space<semaphore_mem>>) {add = true}
    %gt3A_295 = arith.constant 79 : i32
    %gt3A_296 = arith.cmpi sgt, %add3A_10, %gt3A_295 : i32
    %convert_element_type3A_297 = arith.extui %gt3A_296 : i1 to i32
    %cond3A_298 = arith.constant 0 : i32
    %cond3A_299 = arith.cmpi ne, %convert_element_type3A_297, %cond3A_298 : i32
    scf.if %cond3A_299 {
      %dma_wait3A_362 = arith.constant 0 : i32
      %dma_wait3A_363 = tpu.memref_slice %arg31[%dma_wait3A_362] : memref<10240xf32, #tpu.memory_space<vmem_shared>> -> memref<10240xf32, #tpu.memory_space<vmem_shared>>
      tpu.wait_indirect_dma semaphore(%arg29 : memref<!tpu.dma_semaphore, #tpu.memory_space<semaphore_mem>>) src(%arg14 : memref<128xf32, #tpu.memory_space<vmem>>) dst(%dma_wait3A_363 : memref<10240xf32, #tpu.memory_space<vmem_shared>>)
      %add3A_364 = arith.constant 10112 : i32
      %add3A_365 = arith.addi %mul3A_6, %add3A_364 : i32
      %dma_start3A_366 = arith.constant 0 : i32
      %dma_start3A_367 = tpu.memref_slice %arg3[%dma_start3A_366, %add3A_365] : memref<2x320000xi32, #tpu.memory_space<hbm>> -> memref<1x128xi32, #tpu.memory_space<hbm>>
      %dma_start3A_368 = tpu.memref_squeeze %dma_start3A_367 : memref<1x128xi32, #tpu.memory_space<hbm>> -> memref<128xi32, #tpu.memory_space<hbm>>
      %dma_start3A_369 = tpu.memref_slice %arg3[%dma_start3A_366, %add3A_365] : memref<2x320000xi32, #tpu.memory_space<hbm>> -> memref<1x128xi32, #tpu.memory_space<hbm>>
      %dma_start3A_370 = tpu.memref_squeeze %dma_start3A_369 : memref<1x128xi32, #tpu.memory_space<hbm>> -> memref<128xi32, #tpu.memory_space<hbm>>
      tpu.enqueue_dma source(%dma_start3A_370 : memref<128xi32, #tpu.memory_space<hbm>>) target(%arg7 : memref<128xi32, #tpu.memory_space<vmem>>) target_semaphore(%arg19 : memref<!tpu.dma_semaphore, #tpu.memory_space<semaphore_mem>>)
      %add3A_371 = arith.constant 10112 : i32
      %add3A_372 = arith.addi %mul3A_6, %add3A_371 : i32
      %dma_start3A_373 = arith.constant 1 : i32
      %dma_start3A_374 = tpu.memref_slice %arg3[%dma_start3A_373, %add3A_372] : memref<2x320000xi32, #tpu.memory_space<hbm>> -> memref<1x128xi32, #tpu.memory_space<hbm>>
      %dma_start3A_375 = tpu.memref_squeeze %dma_start3A_374 : memref<1x128xi32, #tpu.memory_space<hbm>> -> memref<128xi32, #tpu.memory_space<hbm>>
      %dma_start3A_376 = tpu.memref_slice %arg3[%dma_start3A_373, %add3A_372] : memref<2x320000xi32, #tpu.memory_space<hbm>> -> memref<1x128xi32, #tpu.memory_space<hbm>>
      %dma_start3A_377 = tpu.memref_squeeze %dma_start3A_376 : memref<1x128xi32, #tpu.memory_space<hbm>> -> memref<128xi32, #tpu.memory_space<hbm>>
      tpu.enqueue_dma source(%dma_start3A_377 : memref<128xi32, #tpu.memory_space<hbm>>) target(%arg11 : memref<128xi32, #tpu.memory_space<vmem>>) target_semaphore(%arg23 : memref<!tpu.dma_semaphore, #tpu.memory_space<semaphore_mem>>)
    } else {
    }
    %gt3A_300 = arith.constant 78 : i32
    %gt3A_301 = arith.cmpi sgt, %add3A_10, %gt3A_300 : i32
    %convert_element_type3A_302 = arith.extui %gt3A_301 : i1 to i32
    %cond3A_303 = arith.constant 0 : i32
    %cond3A_304 = arith.cmpi ne, %convert_element_type3A_302, %cond3A_303 : i32
    scf.if %cond3A_304 {
      %dma_wait3A_362 = arith.constant 0 : i32
      %dma_wait3A_363 = arith.constant 0 : i32
      %dma_wait3A_364 = tpu.memref_slice %arg2[%dma_wait3A_362, %dma_wait3A_363] : memref<10000x128xf32, #tpu.memory_space<hbm>> -> memref<10000x128xf32, #tpu.memory_space<hbm>>
      tpu.wait_indirect_dma semaphore(%arg16 : memref<!tpu.dma_semaphore, #tpu.memory_space<semaphore_mem>>) src(%dma_wait3A_364 : memref<10000x128xf32, #tpu.memory_space<hbm>>) dst(%arg12 : memref<128x128xf32, #tpu.memory_space<vmem>>)
      %gt3A_365 = arith.constant 79 : i32
      %gt3A_366 = arith.cmpi sgt, %add3A_10, %gt3A_365 : i32
      %convert_element_type3A_367 = arith.extui %gt3A_366 : i1 to i32
      %cond3A_368 = arith.constant 0 : i32
      %cond3A_369 = arith.cmpi ne, %convert_element_type3A_367, %cond3A_368 : i32
      scf.if %cond3A_369 {
        %add3A_380 = arith.constant 10112 : i32
        %add3A_381 = arith.addi %mul3A_6, %add3A_380 : i32
        %dma_wait3A_382 = arith.constant 0 : i32
        %dma_wait3A_383 = tpu.memref_slice %arg3[%dma_wait3A_382, %add3A_381] : memref<2x320000xi32, #tpu.memory_space<hbm>> -> memref<1x128xi32, #tpu.memory_space<hbm>>
        %dma_wait3A_384 = tpu.memref_squeeze %dma_wait3A_383 : memref<1x128xi32, #tpu.memory_space<hbm>> -> memref<128xi32, #tpu.memory_space<hbm>>
        %dma_wait3A_385 = tpu.memref_slice %arg3[%dma_wait3A_382, %add3A_381] : memref<2x320000xi32, #tpu.memory_space<hbm>> -> memref<1x128xi32, #tpu.memory_space<hbm>>
        %dma_wait3A_386 = tpu.memref_squeeze %dma_wait3A_385 : memref<1x128xi32, #tpu.memory_space<hbm>> -> memref<128xi32, #tpu.memory_space<hbm>>
        tpu.wait_dma2 semaphore(%arg19 : memref<!tpu.dma_semaphore, #tpu.memory_space<semaphore_mem>>) src(%dma_wait3A_386 : memref<128xi32, #tpu.memory_space<hbm>>) dst(%arg7 : memref<128xi32, #tpu.memory_space<vmem>>)
        %add3A_387 = arith.constant 10112 : i32
        %add3A_388 = arith.addi %mul3A_6, %add3A_387 : i32
        %dma_wait3A_389 = arith.constant 1 : i32
        %dma_wait3A_390 = tpu.memref_slice %arg3[%dma_wait3A_389, %add3A_388] : memref<2x320000xi32, #tpu.memory_space<hbm>> -> memref<1x128xi32, #tpu.memory_space<hbm>>
        %dma_wait3A_391 = tpu.memref_squeeze %dma_wait3A_390 : memref<1x128xi32, #tpu.memory_space<hbm>> -> memref<128xi32, #tpu.memory_space<hbm>>
        %dma_wait3A_392 = tpu.memref_slice %arg3[%dma_wait3A_389, %add3A_388] : memref<2x320000xi32, #tpu.memory_space<hbm>> -> memref<1x128xi32, #tpu.memory_space<hbm>>
        %dma_wait3A_393 = tpu.memref_squeeze %dma_wait3A_392 : memref<1x128xi32, #tpu.memory_space<hbm>> -> memref<128xi32, #tpu.memory_space<hbm>>
        tpu.wait_dma2 semaphore(%arg23 : memref<!tpu.dma_semaphore, #tpu.memory_space<semaphore_mem>>) src(%dma_wait3A_393 : memref<128xi32, #tpu.memory_space<hbm>>) dst(%arg11 : memref<128xi32, #tpu.memory_space<vmem>>)
        %dma_wait3A_394 = arith.constant 0 : i32
        %dma_wait3A_395 = arith.constant 0 : i32
        %dma_wait3A_396 = tpu.memref_slice %arg30[%dma_wait3A_394, %dma_wait3A_395] : memref<10240x128xf32, #tpu.memory_space<vmem_shared>> -> memref<10240x128xf32, #tpu.memory_space<vmem_shared>>
        tpu.wait_indirect_dma semaphore(%arg25 : memref<!tpu.dma_semaphore, #tpu.memory_space<semaphore_mem>>) src(%arg13 : memref<128x128xf32, #tpu.memory_space<vmem>>) dst(%dma_wait3A_396 : memref<10240x128xf32, #tpu.memory_space<vmem_shared>>)
        %dma_start3A_397 = arith.constant 0 : i32
        %dma_start3A_398 = arith.constant 0 : i32
        %dma_start3A_399 = tpu.memref_slice %arg2[%dma_start3A_397, %dma_start3A_398] : memref<10000x128xf32, #tpu.memory_space<hbm>> -> memref<10000x128xf32, #tpu.memory_space<hbm>>
        tpu.enqueue_indirect_dma source(%dma_start3A_399 : memref<10000x128xf32, #tpu.memory_space<hbm>>) target(%arg13 : memref<128x128xf32, #tpu.memory_space<vmem>>) offsets(%arg7 : memref<128xi32, #tpu.memory_space<vmem>>) semaphore(%arg17 : memref<!tpu.dma_semaphore, #tpu.memory_space<semaphore_mem>>)
      } else {
      }
      %dma_start3A_370 = arith.constant 0 : i32
      %dma_start3A_371 = arith.constant 0 : i32
      %dma_start3A_372 = tpu.memref_slice %arg30[%dma_start3A_370, %dma_start3A_371] : memref<10240x128xf32, #tpu.memory_space<vmem_shared>> -> memref<10240x128xf32, #tpu.memory_space<vmem_shared>>
      tpu.enqueue_indirect_dma source(%arg12 : memref<128x128xf32, #tpu.memory_space<vmem>>) target(%dma_start3A_372 : memref<10240x128xf32, #tpu.memory_space<vmem_shared>>) offsets(%arg10 : memref<128xi32, #tpu.memory_space<vmem>>) semaphore(%arg24 : memref<!tpu.dma_semaphore, #tpu.memory_space<semaphore_mem>>) {add = true}
      %dma_start3A_373 = arith.constant 0 : i32
      %dma_start3A_374 = tpu.memref_slice %arg31[%dma_start3A_373] : memref<10240xf32, #tpu.memory_space<vmem_shared>> -> memref<10240xf32, #tpu.memory_space<vmem_shared>>
      tpu.enqueue_indirect_dma source(%arg14 : memref<128xf32, #tpu.memory_space<vmem>>) target(%dma_start3A_374 : memref<10240xf32, #tpu.memory_space<vmem_shared>>) offsets(%arg10 : memref<128xi32, #tpu.memory_space<vmem>>) semaphore(%arg28 : memref<!tpu.dma_semaphore, #tpu.memory_space<semaphore_mem>>) {add = true}
      %gt3A_375 = arith.constant 80 : i32
      %gt3A_376 = arith.cmpi sgt, %add3A_10, %gt3A_375 : i32
      %convert_element_type3A_377 = arith.extui %gt3A_376 : i1 to i32
      %cond3A_378 = arith.constant 0 : i32
      %cond3A_379 = arith.cmpi ne, %convert_element_type3A_377, %cond3A_378 : i32
      scf.if %cond3A_379 {
        %dma_wait3A_380 = arith.constant 0 : i32
        %dma_wait3A_381 = tpu.memref_slice %arg31[%dma_wait3A_380] : memref<10240xf32, #tpu.memory_space<vmem_shared>> -> memref<10240xf32, #tpu.memory_space<vmem_shared>>
        tpu.wait_indirect_dma semaphore(%arg26 : memref<!tpu.dma_semaphore, #tpu.memory_space<semaphore_mem>>) src(%arg14 : memref<128xf32, #tpu.memory_space<vmem>>) dst(%dma_wait3A_381 : memref<10240xf32, #tpu.memory_space<vmem_shared>>)
        %add3A_382 = arith.constant 10240 : i32
        %add3A_383 = arith.addi %mul3A_6, %add3A_382 : i32
        %dma_start3A_384 = arith.constant 0 : i32
        %dma_start3A_385 = tpu.memref_slice %arg3[%dma_start3A_384, %add3A_383] : memref<2x320000xi32, #tpu.memory_space<hbm>> -> memref<1x128xi32, #tpu.memory_space<hbm>>
        %dma_start3A_386 = tpu.memref_squeeze %dma_start3A_385 : memref<1x128xi32, #tpu.memory_space<hbm>> -> memref<128xi32, #tpu.memory_space<hbm>>
        %dma_start3A_387 = tpu.memref_slice %arg3[%dma_start3A_384, %add3A_383] : memref<2x320000xi32, #tpu.memory_space<hbm>> -> memref<1x128xi32, #tpu.memory_space<hbm>>
        %dma_start3A_388 = tpu.memref_squeeze %dma_start3A_387 : memref<1x128xi32, #tpu.memory_space<hbm>> -> memref<128xi32, #tpu.memory_space<hbm>>
        tpu.enqueue_dma source(%dma_start3A_388 : memref<128xi32, #tpu.memory_space<hbm>>) target(%arg6 : memref<128xi32, #tpu.memory_space<vmem>>) target_semaphore(%arg18 : memref<!tpu.dma_semaphore, #tpu.memory_space<semaphore_mem>>)
        %add3A_389 = arith.constant 10240 : i32
        %add3A_390 = arith.addi %mul3A_6, %add3A_389 : i32
        %dma_start3A_391 = arith.constant 1 : i32
        %dma_start3A_392 = tpu.memref_slice %arg3[%dma_start3A_391, %add3A_390] : memref<2x320000xi32, #tpu.memory_space<hbm>> -> memref<1x128xi32, #tpu.memory_space<hbm>>
        %dma_start3A_393 = tpu.memref_squeeze %dma_start3A_392 : memref<1x128xi32, #tpu.memory_space<hbm>> -> memref<128xi32, #tpu.memory_space<hbm>>
        %dma_start3A_394 = tpu.memref_slice %arg3[%dma_start3A_391, %add3A_390] : memref<2x320000xi32, #tpu.memory_space<hbm>> -> memref<1x128xi32, #tpu.memory_space<hbm>>
        %dma_start3A_395 = tpu.memref_squeeze %dma_start3A_394 : memref<1x128xi32, #tpu.memory_space<hbm>> -> memref<128xi32, #tpu.memory_space<hbm>>
        tpu.enqueue_dma source(%dma_start3A_395 : memref<128xi32, #tpu.memory_space<hbm>>) target(%arg8 : memref<128xi32, #tpu.memory_space<vmem>>) target_semaphore(%arg20 : memref<!tpu.dma_semaphore, #tpu.memory_space<semaphore_mem>>)
      } else {
      }
    } else {
    }
    %dma_wait3A_305 = arith.constant 0 : i32
    %dma_wait3A_306 = arith.constant 0 : i32
    %dma_wait3A_307 = tpu.memref_slice %arg30[%dma_wait3A_305, %dma_wait3A_306] : memref<10240x128xf32, #tpu.memory_space<vmem_shared>> -> memref<10240x128xf32, #tpu.memory_space<vmem_shared>>
    tpu.wait_indirect_dma semaphore(%arg24 : memref<!tpu.dma_semaphore, #tpu.memory_space<semaphore_mem>>) src(%arg12 : memref<128x128xf32, #tpu.memory_space<vmem>>) dst(%dma_wait3A_307 : memref<10240x128xf32, #tpu.memory_space<vmem_shared>>)
    %dma_wait3A_308 = arith.constant 0 : i32
    %dma_wait3A_309 = arith.constant 0 : i32
    %dma_wait3A_310 = tpu.memref_slice %arg30[%dma_wait3A_308, %dma_wait3A_309] : memref<10240x128xf32, #tpu.memory_space<vmem_shared>> -> memref<10240x128xf32, #tpu.memory_space<vmem_shared>>
    tpu.wait_indirect_dma semaphore(%arg25 : memref<!tpu.dma_semaphore, #tpu.memory_space<semaphore_mem>>) src(%arg13 : memref<128x128xf32, #tpu.memory_space<vmem>>) dst(%dma_wait3A_310 : memref<10240x128xf32, #tpu.memory_space<vmem_shared>>)
    %dma_wait3A_311 = arith.constant 0 : i32
    %dma_wait3A_312 = tpu.memref_slice %arg31[%dma_wait3A_311] : memref<10240xf32, #tpu.memory_space<vmem_shared>> -> memref<10240xf32, #tpu.memory_space<vmem_shared>>
    tpu.wait_indirect_dma semaphore(%arg26 : memref<!tpu.dma_semaphore, #tpu.memory_space<semaphore_mem>>) src(%arg14 : memref<128xf32, #tpu.memory_space<vmem>>) dst(%dma_wait3A_312 : memref<10240xf32, #tpu.memory_space<vmem_shared>>)
    %dma_wait3A_313 = arith.constant 0 : i32
    %dma_wait3A_314 = tpu.memref_slice %arg31[%dma_wait3A_313] : memref<10240xf32, #tpu.memory_space<vmem_shared>> -> memref<10240xf32, #tpu.memory_space<vmem_shared>>
    tpu.wait_indirect_dma semaphore(%arg27 : memref<!tpu.dma_semaphore, #tpu.memory_space<semaphore_mem>>) src(%arg14 : memref<128xf32, #tpu.memory_space<vmem>>) dst(%dma_wait3A_314 : memref<10240xf32, #tpu.memory_space<vmem_shared>>)
    %dma_wait3A_315 = arith.constant 0 : i32
    %dma_wait3A_316 = tpu.memref_slice %arg31[%dma_wait3A_315] : memref<10240xf32, #tpu.memory_space<vmem_shared>> -> memref<10240xf32, #tpu.memory_space<vmem_shared>>
    tpu.wait_indirect_dma semaphore(%arg28 : memref<!tpu.dma_semaphore, #tpu.memory_space<semaphore_mem>>) src(%arg14 : memref<128xf32, #tpu.memory_space<vmem>>) dst(%dma_wait3A_316 : memref<10240xf32, #tpu.memory_space<vmem_shared>>)
    %dma_wait3A_317 = arith.constant 0 : i32
    %dma_wait3A_318 = tpu.memref_slice %arg31[%dma_wait3A_317] : memref<10240xf32, #tpu.memory_space<vmem_shared>> -> memref<10240xf32, #tpu.memory_space<vmem_shared>>
    tpu.wait_indirect_dma semaphore(%arg29 : memref<!tpu.dma_semaphore, #tpu.memory_space<semaphore_mem>>) src(%arg14 : memref<128xf32, #tpu.memory_space<vmem>>) dst(%dma_wait3A_318 : memref<10240xf32, #tpu.memory_space<vmem_shared>>)
    %barrier3A_319 = arith.constant 0 : index
    tpu.barrier barrier_id(%barrier3A_319)
    %mul3A_320 = arith.constant 640 : i32
    %mul3A_321 = arith.muli %arg1, %mul3A_320 : i32
    %add3A_322 = arith.constant 0 : i32
    %add3A_323 = arith.addi %mul3A_321, %add3A_322 : i32
    "tpu.region"() ({
      %run_scoped3A_362 = tpu.sem_alloc : memref<!tpu.dma_semaphore, #tpu.memory_space<semaphore_mem>>
      %dma_start3A_363 = arith.constant 0 : i32
      %dma_start3A_364 = tpu.memref_slice %arg30[%add3A_323, %dma_start3A_363] : memref<10240x128xf32, #tpu.memory_space<vmem_shared>> -> memref<128x128xf32, #tpu.memory_space<vmem_shared>>
      %dma_start3A_365 = arith.constant 0 : i32
      %dma_start3A_366 = tpu.memref_slice %arg30[%add3A_323, %dma_start3A_365] : memref<10240x128xf32, #tpu.memory_space<vmem_shared>> -> memref<128x128xf32, #tpu.memory_space<vmem_shared>>
      tpu.enqueue_dma source(%dma_start3A_366 : memref<128x128xf32, #tpu.memory_space<vmem_shared>>) target(%arg12 : memref<128x128xf32, #tpu.memory_space<vmem>>) target_semaphore(%run_scoped3A_362 : memref<!tpu.dma_semaphore, #tpu.memory_space<semaphore_mem>>)
      %dma_wait3A_367 = arith.constant 0 : i32
      %dma_wait3A_368 = tpu.memref_slice %arg30[%add3A_323, %dma_wait3A_367] : memref<10240x128xf32, #tpu.memory_space<vmem_shared>> -> memref<128x128xf32, #tpu.memory_space<vmem_shared>>
      %dma_wait3A_369 = arith.constant 0 : i32
      %dma_wait3A_370 = tpu.memref_slice %arg30[%add3A_323, %dma_wait3A_369] : memref<10240x128xf32, #tpu.memory_space<vmem_shared>> -> memref<128x128xf32, #tpu.memory_space<vmem_shared>>
      tpu.wait_dma2 semaphore(%run_scoped3A_362 : memref<!tpu.dma_semaphore, #tpu.memory_space<semaphore_mem>>) src(%dma_wait3A_370 : memref<128x128xf32, #tpu.memory_space<vmem_shared>>) dst(%arg12 : memref<128x128xf32, #tpu.memory_space<vmem>>)
      tpu.yield
    }) : () -> ()
    %mul3A_324 = arith.constant 10240 : i32
    %mul3A_325 = arith.muli %arg0, %mul3A_324 : i32
    %add3A_326 = arith.addi %mul3A_325, %add3A_323 : i32
    "tpu.region"() ({
      %run_scoped3A_362 = tpu.sem_alloc : memref<!tpu.dma_semaphore, #tpu.memory_space<semaphore_mem>>
      %dma_start3A_363 = arith.constant 0 : i32
      %dma_start3A_364 = tpu.memref_slice %arg4[%add3A_326, %dma_start3A_363] : memref<20480x128xf32, #tpu.memory_space<hbm>> -> memref<128x128xf32, #tpu.memory_space<hbm>>
      %dma_start3A_365 = arith.constant 0 : i32
      %dma_start3A_366 = tpu.memref_slice %arg4[%add3A_326, %dma_start3A_365] : memref<20480x128xf32, #tpu.memory_space<hbm>> -> memref<128x128xf32, #tpu.memory_space<hbm>>
      tpu.enqueue_dma source(%arg12 : memref<128x128xf32, #tpu.memory_space<vmem>>) target(%dma_start3A_366 : memref<128x128xf32, #tpu.memory_space<hbm>>) target_semaphore(%run_scoped3A_362 : memref<!tpu.dma_semaphore, #tpu.memory_space<semaphore_mem>>)
      %dma_wait3A_367 = arith.constant 0 : i32
      %dma_wait3A_368 = tpu.memref_slice %arg4[%add3A_326, %dma_wait3A_367] : memref<20480x128xf32, #tpu.memory_space<hbm>> -> memref<128x128xf32, #tpu.memory_space<hbm>>
      %dma_wait3A_369 = arith.constant 0 : i32
      %dma_wait3A_370 = tpu.memref_slice %arg4[%add3A_326, %dma_wait3A_369] : memref<20480x128xf32, #tpu.memory_space<hbm>> -> memref<128x128xf32, #tpu.memory_space<hbm>>
      tpu.wait_dma2 semaphore(%run_scoped3A_362 : memref<!tpu.dma_semaphore, #tpu.memory_space<semaphore_mem>>) src(%arg12 : memref<128x128xf32, #tpu.memory_space<vmem>>) dst(%dma_wait3A_370 : memref<128x128xf32, #tpu.memory_space<hbm>>)
      tpu.yield
    }) : () -> ()
    %mul3A_327 = arith.constant 640 : i32
    %mul3A_328 = arith.muli %arg1, %mul3A_327 : i32
    %add3A_329 = arith.constant 128 : i32
    %add3A_330 = arith.addi %mul3A_328, %add3A_329 : i32
    "tpu.region"() ({
      %run_scoped3A_362 = tpu.sem_alloc : memref<!tpu.dma_semaphore, #tpu.memory_space<semaphore_mem>>
      %dma_start3A_363 = arith.constant 0 : i32
      %dma_start3A_364 = tpu.memref_slice %arg30[%add3A_330, %dma_start3A_363] : memref<10240x128xf32, #tpu.memory_space<vmem_shared>> -> memref<128x128xf32, #tpu.memory_space<vmem_shared>>
      %dma_start3A_365 = arith.constant 0 : i32
      %dma_start3A_366 = tpu.memref_slice %arg30[%add3A_330, %dma_start3A_365] : memref<10240x128xf32, #tpu.memory_space<vmem_shared>> -> memref<128x128xf32, #tpu.memory_space<vmem_shared>>
      tpu.enqueue_dma source(%dma_start3A_366 : memref<128x128xf32, #tpu.memory_space<vmem_shared>>) target(%arg12 : memref<128x128xf32, #tpu.memory_space<vmem>>) target_semaphore(%run_scoped3A_362 : memref<!tpu.dma_semaphore, #tpu.memory_space<semaphore_mem>>)
      %dma_wait3A_367 = arith.constant 0 : i32
      %dma_wait3A_368 = tpu.memref_slice %arg30[%add3A_330, %dma_wait3A_367] : memref<10240x128xf32, #tpu.memory_space<vmem_shared>> -> memref<128x128xf32, #tpu.memory_space<vmem_shared>>
      %dma_wait3A_369 = arith.constant 0 : i32
      %dma_wait3A_370 = tpu.memref_slice %arg30[%add3A_330, %dma_wait3A_369] : memref<10240x128xf32, #tpu.memory_space<vmem_shared>> -> memref<128x128xf32, #tpu.memory_space<vmem_shared>>
      tpu.wait_dma2 semaphore(%run_scoped3A_362 : memref<!tpu.dma_semaphore, #tpu.memory_space<semaphore_mem>>) src(%dma_wait3A_370 : memref<128x128xf32, #tpu.memory_space<vmem_shared>>) dst(%arg12 : memref<128x128xf32, #tpu.memory_space<vmem>>)
      tpu.yield
    }) : () -> ()
    %mul3A_331 = arith.constant 10240 : i32
    %mul3A_332 = arith.muli %arg0, %mul3A_331 : i32
    %add3A_333 = arith.addi %mul3A_332, %add3A_330 : i32
    "tpu.region"() ({
      %run_scoped3A_362 = tpu.sem_alloc : memref<!tpu.dma_semaphore, #tpu.memory_space<semaphore_mem>>
      %dma_start3A_363 = arith.constant 0 : i32
      %dma_start3A_364 = tpu.memref_slice %arg4[%add3A_333, %dma_start3A_363] : memref<20480x128xf32, #tpu.memory_space<hbm>> -> memref<128x128xf32, #tpu.memory_space<hbm>>
      %dma_start3A_365 = arith.constant 0 : i32
      %dma_start3A_366 = tpu.memref_slice %arg4[%add3A_333, %dma_start3A_365] : memref<20480x128xf32, #tpu.memory_space<hbm>> -> memref<128x128xf32, #tpu.memory_space<hbm>>
      tpu.enqueue_dma source(%arg12 : memref<128x128xf32, #tpu.memory_space<vmem>>) target(%dma_start3A_366 : memref<128x128xf32, #tpu.memory_space<hbm>>) target_semaphore(%run_scoped3A_362 : memref<!tpu.dma_semaphore, #tpu.memory_space<semaphore_mem>>)
      %dma_wait3A_367 = arith.constant 0 : i32
      %dma_wait3A_368 = tpu.memref_slice %arg4[%add3A_333, %dma_wait3A_367] : memref<20480x128xf32, #tpu.memory_space<hbm>> -> memref<128x128xf32, #tpu.memory_space<hbm>>
      %dma_wait3A_369 = arith.constant 0 : i32
      %dma_wait3A_370 = tpu.memref_slice %arg4[%add3A_333, %dma_wait3A_369] : memref<20480x128xf32, #tpu.memory_space<hbm>> -> memref<128x128xf32, #tpu.memory_space<hbm>>
      tpu.wait_dma2 semaphore(%run_scoped3A_362 : memref<!tpu.dma_semaphore, #tpu.memory_space<semaphore_mem>>) src(%arg12 : memref<128x128xf32, #tpu.memory_space<vmem>>) dst(%dma_wait3A_370 : memref<128x128xf32, #tpu.memory_space<hbm>>)
      tpu.yield
    }) : () -> ()
    %mul3A_334 = arith.constant 640 : i32
    %mul3A_335 = arith.muli %arg1, %mul3A_334 : i32
    %add3A_336 = arith.constant 256 : i32
    %add3A_337 = arith.addi %mul3A_335, %add3A_336 : i32
    "tpu.region"() ({
      %run_scoped3A_362 = tpu.sem_alloc : memref<!tpu.dma_semaphore, #tpu.memory_space<semaphore_mem>>
      %dma_start3A_363 = arith.constant 0 : i32
      %dma_start3A_364 = tpu.memref_slice %arg30[%add3A_337, %dma_start3A_363] : memref<10240x128xf32, #tpu.memory_space<vmem_shared>> -> memref<128x128xf32, #tpu.memory_space<vmem_shared>>
      %dma_start3A_365 = arith.constant 0 : i32
      %dma_start3A_366 = tpu.memref_slice %arg30[%add3A_337, %dma_start3A_365] : memref<10240x128xf32, #tpu.memory_space<vmem_shared>> -> memref<128x128xf32, #tpu.memory_space<vmem_shared>>
      tpu.enqueue_dma source(%dma_start3A_366 : memref<128x128xf32, #tpu.memory_space<vmem_shared>>) target(%arg12 : memref<128x128xf32, #tpu.memory_space<vmem>>) target_semaphore(%run_scoped3A_362 : memref<!tpu.dma_semaphore, #tpu.memory_space<semaphore_mem>>)
      %dma_wait3A_367 = arith.constant 0 : i32
      %dma_wait3A_368 = tpu.memref_slice %arg30[%add3A_337, %dma_wait3A_367] : memref<10240x128xf32, #tpu.memory_space<vmem_shared>> -> memref<128x128xf32, #tpu.memory_space<vmem_shared>>
      %dma_wait3A_369 = arith.constant 0 : i32
      %dma_wait3A_370 = tpu.memref_slice %arg30[%add3A_337, %dma_wait3A_369] : memref<10240x128xf32, #tpu.memory_space<vmem_shared>> -> memref<128x128xf32, #tpu.memory_space<vmem_shared>>
      tpu.wait_dma2 semaphore(%run_scoped3A_362 : memref<!tpu.dma_semaphore, #tpu.memory_space<semaphore_mem>>) src(%dma_wait3A_370 : memref<128x128xf32, #tpu.memory_space<vmem_shared>>) dst(%arg12 : memref<128x128xf32, #tpu.memory_space<vmem>>)
      tpu.yield
    }) : () -> ()
    %mul3A_338 = arith.constant 10240 : i32
    %mul3A_339 = arith.muli %arg0, %mul3A_338 : i32
    %add3A_340 = arith.addi %mul3A_339, %add3A_337 : i32
    "tpu.region"() ({
      %run_scoped3A_362 = tpu.sem_alloc : memref<!tpu.dma_semaphore, #tpu.memory_space<semaphore_mem>>
      %dma_start3A_363 = arith.constant 0 : i32
      %dma_start3A_364 = tpu.memref_slice %arg4[%add3A_340, %dma_start3A_363] : memref<20480x128xf32, #tpu.memory_space<hbm>> -> memref<128x128xf32, #tpu.memory_space<hbm>>
      %dma_start3A_365 = arith.constant 0 : i32
      %dma_start3A_366 = tpu.memref_slice %arg4[%add3A_340, %dma_start3A_365] : memref<20480x128xf32, #tpu.memory_space<hbm>> -> memref<128x128xf32, #tpu.memory_space<hbm>>
      tpu.enqueue_dma source(%arg12 : memref<128x128xf32, #tpu.memory_space<vmem>>) target(%dma_start3A_366 : memref<128x128xf32, #tpu.memory_space<hbm>>) target_semaphore(%run_scoped3A_362 : memref<!tpu.dma_semaphore, #tpu.memory_space<semaphore_mem>>)
      %dma_wait3A_367 = arith.constant 0 : i32
      %dma_wait3A_368 = tpu.memref_slice %arg4[%add3A_340, %dma_wait3A_367] : memref<20480x128xf32, #tpu.memory_space<hbm>> -> memref<128x128xf32, #tpu.memory_space<hbm>>
      %dma_wait3A_369 = arith.constant 0 : i32
      %dma_wait3A_370 = tpu.memref_slice %arg4[%add3A_340, %dma_wait3A_369] : memref<20480x128xf32, #tpu.memory_space<hbm>> -> memref<128x128xf32, #tpu.memory_space<hbm>>
      tpu.wait_dma2 semaphore(%run_scoped3A_362 : memref<!tpu.dma_semaphore, #tpu.memory_space<semaphore_mem>>) src(%arg12 : memref<128x128xf32, #tpu.memory_space<vmem>>) dst(%dma_wait3A_370 : memref<128x128xf32, #tpu.memory_space<hbm>>)
      tpu.yield
    }) : () -> ()
    %mul3A_341 = arith.constant 640 : i32
    %mul3A_342 = arith.muli %arg1, %mul3A_341 : i32
    %add3A_343 = arith.constant 384 : i32
    %add3A_344 = arith.addi %mul3A_342, %add3A_343 : i32
    "tpu.region"() ({
      %run_scoped3A_362 = tpu.sem_alloc : memref<!tpu.dma_semaphore, #tpu.memory_space<semaphore_mem>>
      %dma_start3A_363 = arith.constant 0 : i32
      %dma_start3A_364 = tpu.memref_slice %arg30[%add3A_344, %dma_start3A_363] : memref<10240x128xf32, #tpu.memory_space<vmem_shared>> -> memref<128x128xf32, #tpu.memory_space<vmem_shared>>
      %dma_start3A_365 = arith.constant 0 : i32
      %dma_start3A_366 = tpu.memref_slice %arg30[%add3A_344, %dma_start3A_365] : memref<10240x128xf32, #tpu.memory_space<vmem_shared>> -> memref<128x128xf32, #tpu.memory_space<vmem_shared>>
      tpu.enqueue_dma source(%dma_start3A_366 : memref<128x128xf32, #tpu.memory_space<vmem_shared>>) target(%arg12 : memref<128x128xf32, #tpu.memory_space<vmem>>) target_semaphore(%run_scoped3A_362 : memref<!tpu.dma_semaphore, #tpu.memory_space<semaphore_mem>>)
      %dma_wait3A_367 = arith.constant 0 : i32
      %dma_wait3A_368 = tpu.memref_slice %arg30[%add3A_344, %dma_wait3A_367] : memref<10240x128xf32, #tpu.memory_space<vmem_shared>> -> memref<128x128xf32, #tpu.memory_space<vmem_shared>>
      %dma_wait3A_369 = arith.constant 0 : i32
      %dma_wait3A_370 = tpu.memref_slice %arg30[%add3A_344, %dma_wait3A_369] : memref<10240x128xf32, #tpu.memory_space<vmem_shared>> -> memref<128x128xf32, #tpu.memory_space<vmem_shared>>
      tpu.wait_dma2 semaphore(%run_scoped3A_362 : memref<!tpu.dma_semaphore, #tpu.memory_space<semaphore_mem>>) src(%dma_wait3A_370 : memref<128x128xf32, #tpu.memory_space<vmem_shared>>) dst(%arg12 : memref<128x128xf32, #tpu.memory_space<vmem>>)
      tpu.yield
    }) : () -> ()
    %mul3A_345 = arith.constant 10240 : i32
    %mul3A_346 = arith.muli %arg0, %mul3A_345 : i32
    %add3A_347 = arith.addi %mul3A_346, %add3A_344 : i32
    "tpu.region"() ({
      %run_scoped3A_362 = tpu.sem_alloc : memref<!tpu.dma_semaphore, #tpu.memory_space<semaphore_mem>>
      %dma_start3A_363 = arith.constant 0 : i32
      %dma_start3A_364 = tpu.memref_slice %arg4[%add3A_347, %dma_start3A_363] : memref<20480x128xf32, #tpu.memory_space<hbm>> -> memref<128x128xf32, #tpu.memory_space<hbm>>
      %dma_start3A_365 = arith.constant 0 : i32
      %dma_start3A_366 = tpu.memref_slice %arg4[%add3A_347, %dma_start3A_365] : memref<20480x128xf32, #tpu.memory_space<hbm>> -> memref<128x128xf32, #tpu.memory_space<hbm>>
      tpu.enqueue_dma source(%arg12 : memref<128x128xf32, #tpu.memory_space<vmem>>) target(%dma_start3A_366 : memref<128x128xf32, #tpu.memory_space<hbm>>) target_semaphore(%run_scoped3A_362 : memref<!tpu.dma_semaphore, #tpu.memory_space<semaphore_mem>>)
      %dma_wait3A_367 = arith.constant 0 : i32
      %dma_wait3A_368 = tpu.memref_slice %arg4[%add3A_347, %dma_wait3A_367] : memref<20480x128xf32, #tpu.memory_space<hbm>> -> memref<128x128xf32, #tpu.memory_space<hbm>>
      %dma_wait3A_369 = arith.constant 0 : i32
      %dma_wait3A_370 = tpu.memref_slice %arg4[%add3A_347, %dma_wait3A_369] : memref<20480x128xf32, #tpu.memory_space<hbm>> -> memref<128x128xf32, #tpu.memory_space<hbm>>
      tpu.wait_dma2 semaphore(%run_scoped3A_362 : memref<!tpu.dma_semaphore, #tpu.memory_space<semaphore_mem>>) src(%arg12 : memref<128x128xf32, #tpu.memory_space<vmem>>) dst(%dma_wait3A_370 : memref<128x128xf32, #tpu.memory_space<hbm>>)
      tpu.yield
    }) : () -> ()
    %mul3A_348 = arith.constant 640 : i32
    %mul3A_349 = arith.muli %arg1, %mul3A_348 : i32
    %add3A_350 = arith.constant 512 : i32
    %add3A_351 = arith.addi %mul3A_349, %add3A_350 : i32
    "tpu.region"() ({
      %run_scoped3A_362 = tpu.sem_alloc : memref<!tpu.dma_semaphore, #tpu.memory_space<semaphore_mem>>
      %dma_start3A_363 = arith.constant 0 : i32
      %dma_start3A_364 = tpu.memref_slice %arg30[%add3A_351, %dma_start3A_363] : memref<10240x128xf32, #tpu.memory_space<vmem_shared>> -> memref<128x128xf32, #tpu.memory_space<vmem_shared>>
      %dma_start3A_365 = arith.constant 0 : i32
      %dma_start3A_366 = tpu.memref_slice %arg30[%add3A_351, %dma_start3A_365] : memref<10240x128xf32, #tpu.memory_space<vmem_shared>> -> memref<128x128xf32, #tpu.memory_space<vmem_shared>>
      tpu.enqueue_dma source(%dma_start3A_366 : memref<128x128xf32, #tpu.memory_space<vmem_shared>>) target(%arg12 : memref<128x128xf32, #tpu.memory_space<vmem>>) target_semaphore(%run_scoped3A_362 : memref<!tpu.dma_semaphore, #tpu.memory_space<semaphore_mem>>)
      %dma_wait3A_367 = arith.constant 0 : i32
      %dma_wait3A_368 = tpu.memref_slice %arg30[%add3A_351, %dma_wait3A_367] : memref<10240x128xf32, #tpu.memory_space<vmem_shared>> -> memref<128x128xf32, #tpu.memory_space<vmem_shared>>
      %dma_wait3A_369 = arith.constant 0 : i32
      %dma_wait3A_370 = tpu.memref_slice %arg30[%add3A_351, %dma_wait3A_369] : memref<10240x128xf32, #tpu.memory_space<vmem_shared>> -> memref<128x128xf32, #tpu.memory_space<vmem_shared>>
      tpu.wait_dma2 semaphore(%run_scoped3A_362 : memref<!tpu.dma_semaphore, #tpu.memory_space<semaphore_mem>>) src(%dma_wait3A_370 : memref<128x128xf32, #tpu.memory_space<vmem_shared>>) dst(%arg12 : memref<128x128xf32, #tpu.memory_space<vmem>>)
      tpu.yield
    }) : () -> ()
    %mul3A_352 = arith.constant 10240 : i32
    %mul3A_353 = arith.muli %arg0, %mul3A_352 : i32
    %add3A_354 = arith.addi %mul3A_353, %add3A_351 : i32
    "tpu.region"() ({
      %run_scoped3A_362 = tpu.sem_alloc : memref<!tpu.dma_semaphore, #tpu.memory_space<semaphore_mem>>
      %dma_start3A_363 = arith.constant 0 : i32
      %dma_start3A_364 = tpu.memref_slice %arg4[%add3A_354, %dma_start3A_363] : memref<20480x128xf32, #tpu.memory_space<hbm>> -> memref<128x128xf32, #tpu.memory_space<hbm>>
      %dma_start3A_365 = arith.constant 0 : i32
      %dma_start3A_366 = tpu.memref_slice %arg4[%add3A_354, %dma_start3A_365] : memref<20480x128xf32, #tpu.memory_space<hbm>> -> memref<128x128xf32, #tpu.memory_space<hbm>>
      tpu.enqueue_dma source(%arg12 : memref<128x128xf32, #tpu.memory_space<vmem>>) target(%dma_start3A_366 : memref<128x128xf32, #tpu.memory_space<hbm>>) target_semaphore(%run_scoped3A_362 : memref<!tpu.dma_semaphore, #tpu.memory_space<semaphore_mem>>)
      %dma_wait3A_367 = arith.constant 0 : i32
      %dma_wait3A_368 = tpu.memref_slice %arg4[%add3A_354, %dma_wait3A_367] : memref<20480x128xf32, #tpu.memory_space<hbm>> -> memref<128x128xf32, #tpu.memory_space<hbm>>
      %dma_wait3A_369 = arith.constant 0 : i32
      %dma_wait3A_370 = tpu.memref_slice %arg4[%add3A_354, %dma_wait3A_369] : memref<20480x128xf32, #tpu.memory_space<hbm>> -> memref<128x128xf32, #tpu.memory_space<hbm>>
      tpu.wait_dma2 semaphore(%run_scoped3A_362 : memref<!tpu.dma_semaphore, #tpu.memory_space<semaphore_mem>>) src(%arg12 : memref<128x128xf32, #tpu.memory_space<vmem>>) dst(%dma_wait3A_370 : memref<128x128xf32, #tpu.memory_space<hbm>>)
      tpu.yield
    }) : () -> ()
    %mul3A_355 = arith.constant 640 : i32
    %mul3A_356 = arith.muli %arg1, %mul3A_355 : i32
    "tpu.region"() ({
      %run_scoped3A_362 = tpu.sem_alloc : memref<!tpu.dma_semaphore, #tpu.memory_space<semaphore_mem>>
      %dma_start3A_363 = tpu.memref_slice %arg31[%mul3A_356] : memref<10240xf32, #tpu.memory_space<vmem_shared>> -> memref<640xf32, #tpu.memory_space<vmem_shared>>
      %dma_start3A_364 = tpu.memref_slice %arg31[%mul3A_356] : memref<10240xf32, #tpu.memory_space<vmem_shared>> -> memref<640xf32, #tpu.memory_space<vmem_shared>>
      tpu.enqueue_dma source(%dma_start3A_364 : memref<640xf32, #tpu.memory_space<vmem_shared>>) target(%arg15 : memref<640xf32, #tpu.memory_space<vmem>>) target_semaphore(%run_scoped3A_362 : memref<!tpu.dma_semaphore, #tpu.memory_space<semaphore_mem>>)
      %dma_wait3A_365 = tpu.memref_slice %arg31[%mul3A_356] : memref<10240xf32, #tpu.memory_space<vmem_shared>> -> memref<640xf32, #tpu.memory_space<vmem_shared>>
      %dma_wait3A_366 = tpu.memref_slice %arg31[%mul3A_356] : memref<10240xf32, #tpu.memory_space<vmem_shared>> -> memref<640xf32, #tpu.memory_space<vmem_shared>>
      tpu.wait_dma2 semaphore(%run_scoped3A_362 : memref<!tpu.dma_semaphore, #tpu.memory_space<semaphore_mem>>) src(%dma_wait3A_366 : memref<640xf32, #tpu.memory_space<vmem_shared>>) dst(%arg15 : memref<640xf32, #tpu.memory_space<vmem>>)
      tpu.yield
    }) : () -> ()
    %mul3A_357 = arith.constant 10240 : i32
    %mul3A_358 = arith.muli %arg0, %mul3A_357 : i32
    %mul3A_359 = arith.constant 640 : i32
    %mul3A_360 = arith.muli %arg1, %mul3A_359 : i32
    %add3A_361 = arith.addi %mul3A_358, %mul3A_360 : i32
    "tpu.region"() ({
      %run_scoped3A_362 = tpu.sem_alloc : memref<!tpu.dma_semaphore, #tpu.memory_space<semaphore_mem>>
      %dma_start3A_363 = tpu.memref_slice %arg5[%add3A_361] : memref<20480xf32, #tpu.memory_space<hbm>> -> memref<640xf32, #tpu.memory_space<hbm>>
      %dma_start3A_364 = tpu.memref_slice %arg5[%add3A_361] : memref<20480xf32, #tpu.memory_space<hbm>> -> memref<640xf32, #tpu.memory_space<hbm>>
      tpu.enqueue_dma source(%arg15 : memref<640xf32, #tpu.memory_space<vmem>>) target(%dma_start3A_364 : memref<640xf32, #tpu.memory_space<hbm>>) target_semaphore(%run_scoped3A_362 : memref<!tpu.dma_semaphore, #tpu.memory_space<semaphore_mem>>)
      %dma_wait3A_365 = tpu.memref_slice %arg5[%add3A_361] : memref<20480xf32, #tpu.memory_space<hbm>> -> memref<640xf32, #tpu.memory_space<hbm>>
      %dma_wait3A_366 = tpu.memref_slice %arg5[%add3A_361] : memref<20480xf32, #tpu.memory_space<hbm>> -> memref<640xf32, #tpu.memory_space<hbm>>
      tpu.wait_dma2 semaphore(%run_scoped3A_362 : memref<!tpu.dma_semaphore, #tpu.memory_space<semaphore_mem>>) src(%arg15 : memref<640xf32, #tpu.memory_space<vmem>>) dst(%dma_wait3A_366 : memref<640xf32, #tpu.memory_space<hbm>>)
      tpu.yield
    }) : () -> ()
    return
  }
}

module attributes {stable_mosaic.version = 14 : i64} {
  func.func @_tc_body(%arg0: i32, %arg1: memref<2x1024x128xf32, #tpu.memory_space<vmem>>, %arg2: memref<2x8x128xf32, #tpu.memory_space<vmem>>, %arg3: memref<1024x128xf32, #tpu.memory_space<vmem>>, %arg4: memref<1024x1xf32, #tpu.memory_space<vmem>>, %arg5: memref<128x128xf32, #tpu.memory_space<vmem>>, %arg6: memref<1024x128xf32, #tpu.memory_space<vmem>>) attributes {dimension_semantics = [#tpu.dimension_semantics<arbitrary>], iteration_bounds = array<i64: 10>, scalar_prefetch = 0 : i64, scratch_operands = 0 : i64, tpu.core_type = #tpu.core_type<tc>, window_params = [{transform_indices = @transform_0, window_bounds = array<i64: 2, 1024, 128>}, {transform_indices = @transform_1, window_bounds = array<i64: 2, 8, 128>}, {transform_indices = @transform_2, window_bounds = array<i64: 1024, 128>}, {transform_indices = @transform_3, window_bounds = array<i64: 1024, 1>}, {pipeline_mode = #tpu.pipeline_mode<synchronous>, transform_indices = @transform_4, window_bounds = array<i64: 128, 128>}, {transform_indices = @transform_5, window_bounds = array<i64: 1024, 128>}]} {
    %get3A = arith.constant 0 : index
    %get3A_0 = arith.constant 0 : index
    %get3A_1 = arith.constant 0 : index
    %get3A_2 = vector.load %arg1[%get3A, %get3A_0, %get3A_1] : memref<2x1024x128xf32, #tpu.memory_space<vmem>>, vector<2x1024x128xf32>
    %get3A_3 = arith.constant 0 : index
    %get3A_4 = arith.constant 0 : index
    %get3A_5 = arith.constant 0 : index
    %get3A_6 = vector.load %arg2[%get3A_3, %get3A_4, %get3A_5] : memref<2x8x128xf32, #tpu.memory_space<vmem>>, vector<2x8x128xf32>
    %slice3A = vector.extract_strided_slice %get3A_6 {offsets = [0, 0, 0], sizes = [1, 8, 128], strides = [1, 1, 1]} : vector<2x8x128xf32> to vector<1x8x128xf32>
    %squeeze3A = vector.shape_cast %slice3A : vector<1x8x128xf32> to vector<8x128xf32>
    %slice3A_7 = vector.extract_strided_slice %get3A_6 {offsets = [1, 0, 0], sizes = [1, 8, 128], strides = [1, 1, 1]} : vector<2x8x128xf32> to vector<1x8x128xf32>
    %squeeze3A_8 = vector.shape_cast %slice3A_7 : vector<1x8x128xf32> to vector<8x128xf32>
    %add3A = arith.addf %squeeze3A, %squeeze3A_8 : vector<8x128xf32>
    %iota3A = tpu.iota {dimensions = array<i32: 0>} : vector<128x128xi32>
    %iota3A_9 = tpu.iota {dimensions = array<i32: 1>} : vector<128x128xi32>
    %eq3A = arith.cmpi eq, %iota3A, %iota3A_9 : vector<128x128xi32>
    %jit3A = arith.constant 1.000000e+00 : f32
    %jit3A_10 = arith.constant 0.000000e+00 : f32
    %broadcast_in_dim3A = vector.broadcast %jit3A : f32 to vector<128x128xf32>
    %broadcast_in_dim3A_11 = vector.broadcast %jit3A_10 : f32 to vector<128x128xf32>
    %select_n3A = arith.select %eq3A, %broadcast_in_dim3A, %broadcast_in_dim3A_11 : vector<128x128xi1>, vector<128x128xf32>
    %broadcast_in_dim3A_12 = arith.constant 1.000000e+00 : f32
    %broadcast_in_dim3A_13 = vector.broadcast %broadcast_in_dim3A_12 : f32 to vector<128x128xf32>
    %slice3A_14 = vector.extract_strided_slice %add3A {offsets = [0, 0], sizes = [1, 128], strides = [1, 1]} : vector<8x128xf32> to vector<1x128xf32>
    %squeeze3A_15 = vector.shape_cast %slice3A_14 : vector<1x128xf32> to vector<128xf32>
    %broadcast_in_dim3A_16 = vector.shape_cast %squeeze3A_15 : vector<128xf32> to vector<1x128xf32>
    %broadcast_in_dim3A_17 = vector.broadcast %broadcast_in_dim3A_16 : vector<1x128xf32> to vector<128x128xf32>
    %mul3A = arith.mulf %broadcast_in_dim3A_17, %select_n3A : vector<128x128xf32>
    %dot_general3A = arith.constant dense<0.000000e+00> : vector<128x128xf32>
    %dot_general3A_18 = tpu.matmul %mul3A, %broadcast_in_dim3A_13, %dot_general3A {dimension_numbers = #tpu.dot_dimension_numbers<[1], [0], [0], [1], [0, 0, 1, 1], [], []>, transpose_lhs_hint = false} : vector<128x128xf32>, vector<128x128xf32>, vector<128x128xf32> -> vector<128x128xf32>
    %slice3A_19 = vector.extract_strided_slice %add3A {offsets = [1, 0], sizes = [1, 128], strides = [1, 1]} : vector<8x128xf32> to vector<1x128xf32>
    %squeeze3A_20 = vector.shape_cast %slice3A_19 : vector<1x128xf32> to vector<128xf32>
    %broadcast_in_dim3A_21 = vector.shape_cast %squeeze3A_20 : vector<128xf32> to vector<1x128xf32>
    %broadcast_in_dim3A_22 = vector.broadcast %broadcast_in_dim3A_21 : vector<1x128xf32> to vector<128x128xf32>
    %mul3A_23 = arith.mulf %broadcast_in_dim3A_22, %select_n3A : vector<128x128xf32>
    %dot_general3A_24 = arith.constant dense<0.000000e+00> : vector<128x128xf32>
    %dot_general3A_25 = tpu.matmul %mul3A_23, %broadcast_in_dim3A_13, %dot_general3A_24 {dimension_numbers = #tpu.dot_dimension_numbers<[1], [0], [0], [1], [0, 0, 1, 1], [], []>, transpose_lhs_hint = false} : vector<128x128xf32>, vector<128x128xf32>, vector<128x128xf32> -> vector<128x128xf32>
    %slice3A_26 = vector.extract_strided_slice %add3A {offsets = [2, 0], sizes = [1, 128], strides = [1, 1]} : vector<8x128xf32> to vector<1x128xf32>
    %squeeze3A_27 = vector.shape_cast %slice3A_26 : vector<1x128xf32> to vector<128xf32>
    %broadcast_in_dim3A_28 = vector.shape_cast %squeeze3A_27 : vector<128xf32> to vector<1x128xf32>
    %broadcast_in_dim3A_29 = vector.broadcast %broadcast_in_dim3A_28 : vector<1x128xf32> to vector<128x128xf32>
    %mul3A_30 = arith.mulf %broadcast_in_dim3A_29, %select_n3A : vector<128x128xf32>
    %dot_general3A_31 = arith.constant dense<0.000000e+00> : vector<128x128xf32>
    %dot_general3A_32 = tpu.matmul %mul3A_30, %broadcast_in_dim3A_13, %dot_general3A_31 {dimension_numbers = #tpu.dot_dimension_numbers<[1], [0], [0], [1], [0, 0, 1, 1], [], []>, transpose_lhs_hint = false} : vector<128x128xf32>, vector<128x128xf32>, vector<128x128xf32> -> vector<128x128xf32>
    %slice3A_33 = vector.extract_strided_slice %add3A {offsets = [3, 0], sizes = [1, 128], strides = [1, 1]} : vector<8x128xf32> to vector<1x128xf32>
    %squeeze3A_34 = vector.shape_cast %slice3A_33 : vector<1x128xf32> to vector<128xf32>
    %broadcast_in_dim3A_35 = vector.shape_cast %squeeze3A_34 : vector<128xf32> to vector<1x128xf32>
    %broadcast_in_dim3A_36 = vector.broadcast %broadcast_in_dim3A_35 : vector<1x128xf32> to vector<128x128xf32>
    %mul3A_37 = arith.mulf %broadcast_in_dim3A_36, %select_n3A : vector<128x128xf32>
    %dot_general3A_38 = arith.constant dense<0.000000e+00> : vector<128x128xf32>
    %dot_general3A_39 = tpu.matmul %mul3A_37, %broadcast_in_dim3A_13, %dot_general3A_38 {dimension_numbers = #tpu.dot_dimension_numbers<[1], [0], [0], [1], [0, 0, 1, 1], [], []>, transpose_lhs_hint = false} : vector<128x128xf32>, vector<128x128xf32>, vector<128x128xf32> -> vector<128x128xf32>
    %slice3A_40 = vector.extract_strided_slice %add3A {offsets = [4, 0], sizes = [1, 128], strides = [1, 1]} : vector<8x128xf32> to vector<1x128xf32>
    %squeeze3A_41 = vector.shape_cast %slice3A_40 : vector<1x128xf32> to vector<128xf32>
    %broadcast_in_dim3A_42 = vector.shape_cast %squeeze3A_41 : vector<128xf32> to vector<1x128xf32>
    %broadcast_in_dim3A_43 = vector.broadcast %broadcast_in_dim3A_42 : vector<1x128xf32> to vector<128x128xf32>
    %mul3A_44 = arith.mulf %broadcast_in_dim3A_43, %select_n3A : vector<128x128xf32>
    %dot_general3A_45 = arith.constant dense<0.000000e+00> : vector<128x128xf32>
    %dot_general3A_46 = tpu.matmul %mul3A_44, %broadcast_in_dim3A_13, %dot_general3A_45 {dimension_numbers = #tpu.dot_dimension_numbers<[1], [0], [0], [1], [0, 0, 1, 1], [], []>, transpose_lhs_hint = false} : vector<128x128xf32>, vector<128x128xf32>, vector<128x128xf32> -> vector<128x128xf32>
    %slice3A_47 = vector.extract_strided_slice %add3A {offsets = [5, 0], sizes = [1, 128], strides = [1, 1]} : vector<8x128xf32> to vector<1x128xf32>
    %squeeze3A_48 = vector.shape_cast %slice3A_47 : vector<1x128xf32> to vector<128xf32>
    %broadcast_in_dim3A_49 = vector.shape_cast %squeeze3A_48 : vector<128xf32> to vector<1x128xf32>
    %broadcast_in_dim3A_50 = vector.broadcast %broadcast_in_dim3A_49 : vector<1x128xf32> to vector<128x128xf32>
    %mul3A_51 = arith.mulf %broadcast_in_dim3A_50, %select_n3A : vector<128x128xf32>
    %dot_general3A_52 = arith.constant dense<0.000000e+00> : vector<128x128xf32>
    %dot_general3A_53 = tpu.matmul %mul3A_51, %broadcast_in_dim3A_13, %dot_general3A_52 {dimension_numbers = #tpu.dot_dimension_numbers<[1], [0], [0], [1], [0, 0, 1, 1], [], []>, transpose_lhs_hint = false} : vector<128x128xf32>, vector<128x128xf32>, vector<128x128xf32> -> vector<128x128xf32>
    %slice3A_54 = vector.extract_strided_slice %add3A {offsets = [6, 0], sizes = [1, 128], strides = [1, 1]} : vector<8x128xf32> to vector<1x128xf32>
    %squeeze3A_55 = vector.shape_cast %slice3A_54 : vector<1x128xf32> to vector<128xf32>
    %broadcast_in_dim3A_56 = vector.shape_cast %squeeze3A_55 : vector<128xf32> to vector<1x128xf32>
    %broadcast_in_dim3A_57 = vector.broadcast %broadcast_in_dim3A_56 : vector<1x128xf32> to vector<128x128xf32>
    %mul3A_58 = arith.mulf %broadcast_in_dim3A_57, %select_n3A : vector<128x128xf32>
    %dot_general3A_59 = arith.constant dense<0.000000e+00> : vector<128x128xf32>
    %dot_general3A_60 = tpu.matmul %mul3A_58, %broadcast_in_dim3A_13, %dot_general3A_59 {dimension_numbers = #tpu.dot_dimension_numbers<[1], [0], [0], [1], [0, 0, 1, 1], [], []>, transpose_lhs_hint = false} : vector<128x128xf32>, vector<128x128xf32>, vector<128x128xf32> -> vector<128x128xf32>
    %slice3A_61 = vector.extract_strided_slice %add3A {offsets = [7, 0], sizes = [1, 128], strides = [1, 1]} : vector<8x128xf32> to vector<1x128xf32>
    %squeeze3A_62 = vector.shape_cast %slice3A_61 : vector<1x128xf32> to vector<128xf32>
    %broadcast_in_dim3A_63 = vector.shape_cast %squeeze3A_62 : vector<128xf32> to vector<1x128xf32>
    %broadcast_in_dim3A_64 = vector.broadcast %broadcast_in_dim3A_63 : vector<1x128xf32> to vector<128x128xf32>
    %mul3A_65 = arith.mulf %broadcast_in_dim3A_64, %select_n3A : vector<128x128xf32>
    %dot_general3A_66 = arith.constant dense<0.000000e+00> : vector<128x128xf32>
    %dot_general3A_67 = tpu.matmul %mul3A_65, %broadcast_in_dim3A_13, %dot_general3A_66 {dimension_numbers = #tpu.dot_dimension_numbers<[1], [0], [0], [1], [0, 0, 1, 1], [], []>, transpose_lhs_hint = false} : vector<128x128xf32>, vector<128x128xf32>, vector<128x128xf32> -> vector<128x128xf32>
    %concatenate3A = tpu.concatenate %dot_general3A_18, %dot_general3A_25, %dot_general3A_32, %dot_general3A_39, %dot_general3A_46, %dot_general3A_53, %dot_general3A_60, %dot_general3A_67 in 0 : vector<128x128xf32>, vector<128x128xf32>, vector<128x128xf32>, vector<128x128xf32>, vector<128x128xf32>, vector<128x128xf32>, vector<128x128xf32>, vector<128x128xf32> -> vector<1024x128xf32>
    %slice3A_68 = vector.extract_strided_slice %get3A_2 {offsets = [0, 0, 0], sizes = [1, 1024, 128], strides = [1, 1, 1]} : vector<2x1024x128xf32> to vector<1x1024x128xf32>
    %squeeze3A_69 = vector.shape_cast %slice3A_68 : vector<1x1024x128xf32> to vector<1024x128xf32>
    %slice3A_70 = vector.extract_strided_slice %get3A_2 {offsets = [1, 0, 0], sizes = [1, 1024, 128], strides = [1, 1, 1]} : vector<2x1024x128xf32> to vector<1x1024x128xf32>
    %squeeze3A_71 = vector.shape_cast %slice3A_70 : vector<1x1024x128xf32> to vector<1024x128xf32>
    %add3A_72 = arith.addf %squeeze3A_69, %squeeze3A_71 : vector<1024x128xf32>
    %max3A = arith.constant 1.000000e+00 : f32
    %max3A_73 = vector.broadcast %max3A : f32 to vector<1024x128xf32>
    %max3A_74 = arith.maximumf %concatenate3A, %max3A_73 : vector<1024x128xf32>
    %div3A = arith.divf %add3A_72, %max3A_74 : vector<1024x128xf32>
    %gt3A = arith.constant 0.000000e+00 : f32
    %gt3A_75 = vector.broadcast %gt3A : f32 to vector<1024x128xf32>
    %gt3A_76 = arith.cmpf ogt, %concatenate3A, %gt3A_75 : vector<1024x128xf32>
    %get3A_77 = arith.constant 0 : index
    %get3A_78 = arith.constant 0 : index
    %get3A_79 = vector.load %arg3[%get3A_77, %get3A_78] : memref<1024x128xf32, #tpu.memory_space<vmem>>, vector<1024x128xf32>
    %select_n3A_80 = arith.select %gt3A_76, %div3A, %get3A_79 : vector<1024x128xi1>, vector<1024x128xf32>
    %get3A_81 = arith.constant 0 : index
    %get3A_82 = arith.constant 0 : index
    %get3A_83 = vector.load %arg5[%get3A_81, %get3A_82] : memref<128x128xf32, #tpu.memory_space<vmem>>, vector<128x128xf32>
    %dot_general3A_84 = arith.constant dense<0.000000e+00> : vector<1024x128xf32>
    %dot_general3A_85 = tpu.matmul %select_n3A_80, %get3A_83, %dot_general3A_84 {dimension_numbers = #tpu.dot_dimension_numbers<[1], [0], [0], [1], [0, 0, 1, 1], [], []>, transpose_lhs_hint = false} : vector<1024x128xf32>, vector<128x128xf32>, vector<1024x128xf32> -> vector<1024x128xf32>
    %get3A_86 = arith.constant 0 : index
    %get3A_87 = arith.constant 0 : index
    %get3A_88 = vector.load %arg4[%get3A_86, %get3A_87] : memref<1024x1xf32, #tpu.memory_space<vmem>>, vector<1024x1xf32>
    %mul3A_89 = vector.broadcast %get3A_88 : vector<1024x1xf32> to vector<1024x128xf32>
    %mul3A_90 = arith.mulf %dot_general3A_85, %mul3A_89 : vector<1024x128xf32>
    %max3A_91 = arith.constant 0.000000e+00 : f32
    %max3A_92 = vector.broadcast %max3A_91 : f32 to vector<1024x128xf32>
    %max3A_93 = arith.maximumf %mul3A_90, %max3A_92 : vector<1024x128xf32>
    %swap3A = arith.constant 0 : index
    %swap3A_94 = arith.constant 0 : index
    %swap3A_95 = vector.load %arg6[%swap3A, %swap3A_94] : memref<1024x128xf32, #tpu.memory_space<vmem>>, vector<1024x128xf32>
    tpu.vector_store %arg6[%swap3A, %swap3A_94], %max3A_93 {strides = array<i32>} : memref<1024x128xf32, #tpu.memory_space<vmem>>, vector<1024x128xf32>,
    return
  }
  func.func @transform_0(%arg0: i32) -> (i32, i32, i32) {
    %c0_i32 = arith.constant 0 : i32
    %c0_i32_0 = arith.constant 0 : i32
    %c0_i32_1 = arith.constant 0 : i32
    return %c0_i32, %arg0, %c0_i32_0 : i32, i32, i32
  }
  func.func @transform_1(%arg0: i32) -> (i32, i32, i32) {
    %c0_i32 = arith.constant 0 : i32
    %c0_i32_0 = arith.constant 0 : i32
    %c0_i32_1 = arith.constant 0 : i32
    return %c0_i32, %arg0, %c0_i32_0 : i32, i32, i32
  }
  func.func @transform_2(%arg0: i32) -> (i32, i32) {
    %c0_i32 = arith.constant 0 : i32
    %c0_i32_0 = arith.constant 0 : i32
    return %arg0, %c0_i32 : i32, i32
  }
  func.func @transform_3(%arg0: i32) -> (i32, i32) {
    %c0_i32 = arith.constant 0 : i32
    %c0_i32_0 = arith.constant 0 : i32
    return %arg0, %c0_i32 : i32, i32
  }
  func.func @transform_4(%arg0: i32) -> (i32, i32) {
    %c0_i32 = arith.constant 0 : i32
    %c0_i32_0 = arith.constant 0 : i32
    %c0_i32_1 = arith.constant 0 : i32
    return %c0_i32, %c0_i32_0 : i32, i32
  }
  func.func @transform_5(%arg0: i32) -> (i32, i32) {
    %c0_i32 = arith.constant 0 : i32
    %c0_i32_0 = arith.constant 0 : i32
    return %arg0, %c0_i32 : i32, i32
  }
}

</mosaic_0001>

<sc_bundles>
// kernel: kernel.4.cloned.1.call-start
scs
__scs_entry_jumppad:
0x0: {  	(pc) =	sbr.rel $0x88, $3  }
0x1: {  	(tag) =	ssettag $0x0;
	lr =	simm.s32 $0x1  }
0x2: {  	[smem:$0x3F9D] =	sst lr;
	_ =	strace $0xD0000000  }
0x3: {  	_ = 	snop  }
0x4: {  	_ = 	snop  }
0x5: {  	_ = 	snop  }
0x6: {  	_ = 	snop  }
0x7: {  	_ = 	snop  }
__scs_overlays_trampoline_lowered:
0x8: {  	[smem:$0x3FAC] =	sst s0  }
0x9: {  	[smem:$0x3FAD] =	sst s1  }
0xa: {  	[smem:$0x3FAE] =	sst s2  }
0xb: {  	[smem:$0x3FAF] =	sst s3  }
0xc: {  	[smem:$0x3FB0] =	sst s4  }
0xd: {  	[smem:$0x3FB1] =	sst s5  }
0xe: {  	[smem:$0x3FB2] =	sst s6  }
0xf: {  	[smem:$0x3FB3] =	sst s7  }
0x10: {  	[smem:$0x3FB4] =	sst s8  }
0x11: {  	[smem:$0x3FB5] =	sst s9;
	s0 =	simm.s32 @!p0 $0x0  }
0x12: {  	s1 =	sld [smem:$0x3F9B];
	s0 =	simm.s32 @p0 $0x1  }
0x13: {  	[smem:$0x3FB6] =	sst s0;
	s0 =	simm.s32 @!p1 $0x0  }
0x14: {  	s2 =	sld [smem:$0x3F9A];
	s0 =	simm.s32 @p1 $0x1  }
0x15: {  	[smem:$0x3FB7] =	sst s0;
	s0 =	simm.s32 @!p2 $0x0  }
0x16: {  	s3 =	sld [smem:$0x3FDB];
	s0 =	simm.s32 @p2 $0x1  }
0x17: {  	s4 =	simm.s32 $0x1BF5;
	[smem:$0x3FB9] =	sst s0  }
0x18: {  	s0 =	sld [smem:$0x3F9C];
	_ =	swait.ge [sflag:s4], $0x0  }
0x19: {  	s7 =	sld [smem:$0x3F9D]  }
0x1a: {  	s8 =	sadd.s32 $0xFFFFE003, lr  }
0x1b: {  	s9 =	sadd.s32 $0xFFFFFEF7, lr;
	s5 =	simm.s32 $0xFFFFFFFF;
	p2 =	slt.u32 s8, $0xFFFFF086  }
0x1c: {  	p1 =	slt.u32 s9, $0xF7A;
	s5 =	simm.s32 @!p2 $0x0  }
0x1d: {  	s5 =	simm.s32 @p1 $0x1;
	p0 =	seq.s32 s7, s2  }
0x1e: {  	s7 =	smul.u32 @!p0 $0xF7A, s2;
	p2 =	seq.s32 @!p0 s5, $0x0  }
0x1f: {  	s9 =	smul.u32 $0xF7A, s1;
	s8 =	simm.s32 @!p0 $0x1BF5;
	p2 =	por !p2, p0  }
0x20: {  	[sflag:s8] =	ssyncset.s32 @!p0 $0xFFFFF086;
	s6 =	sadd.s32 @!p0 s3, s7;
	s7 =	simm.s32 @!p0 $0x108  }
0x21: {  	s3 =	sadd.s32 s3, s9;
	s6 =	sadd.s32 @!p0 $0x88, s6;
	s7 =	simm.s32 @p2 $0x1082  }
0x22: {  	[simem:s7], [sflag:s8] =	dma.local @!p0 [hbm:s6], $0xF7A  }
0x23: {  	s9 =	sor.u32 $0xD0000000, s2;
	s6 =	simm.s32 $0x108;
	_ =	swait.ge @!p0 [sflag:s8], $0x0  }
0x24: {  	s3 =	sadd.s32 $0x88, s3;
	s6 =	simm.s32 @!p1 $0x1082;
	[sflag:s4] =	ssyncset.s32 $0xFFFFF086  }
0x25: {  	[simem:s6], [sflag:s4] =	dma.local [hbm:s3], $0xF7A  }
0x26: {  	[smem:$0x3F9D] =	sst s1;
	(tag) =	ssettag s2;
	_ =	strace s9  }
0x27: {  	s1 =	sld [smem:$0x3FAD]  }
0x28: {  	s2 =	sld [smem:$0x3FAE]  }
0x29: {  	s4 =	sld [smem:$0x3FB0]  }
0x2a: {  	p0 =	seq.s32 s5, $0x0;
	s5 =	sld [smem:$0x3FB1]  }
0x2b: {  	s6 =	sld [smem:$0x3FB2]  }
0x2c: {  	s7 =	sld [smem:$0x3FB3]  }
0x2d: {  	s3 =	simm.s32 $0x108;
	s8 =	sld [smem:$0x3FB4]  }
0x2e: {  	s3 =	simm.s32 @!p0 $0x1082;
	s9 =	sld [smem:$0x3FB5]  }
0x2f: {  	lr =	sadd.s32 s0, s3;
	s0 =	sld [smem:$0x3FAC]  }
0x30: {  	s3 =	sld [smem:$0x3FAF]  }
0x31: {  	[smem:$0x3FB8] =	sst s10  }
0x32: {  	s10 =	sld [smem:$0x3FB6];
	_ =	sdelay $0x3  }
0x33: {  	p0 =	seq.s32 s10, $0x1;
	s10 =	sld [smem:$0x3FB8];
	_ =	sdelay $0x3  }
0x34: {  	[smem:$0x3FB8] =	sst s10  }
0x35: {  	s10 =	sld [smem:$0x3FB7];
	_ =	sdelay $0x3  }
0x36: {  	p1 =	seq.s32 s10, $0x1;
	s10 =	sld [smem:$0x3FB8];
	_ =	sdelay $0x3  }
0x37: {  	[smem:$0x3FB8] =	sst s10  }
0x38: {  	s10 =	sld [smem:$0x3FB9]  }
0x39: {  	_ = 	snop;
	(pc) =	sbr.ind lr, $3  }
0x3a: {  	_ = 	snop  }
0x3b: {  	_ = 	snop  }
0x3c: {  	p2 =	seq.s32 s10, $0x1;
	s10 =	sld [smem:$0x3FB8]  }
0x3d: {  	_ =	shalt  }
0x3e: {  	_ =	shalt  }
0x3f: {  	_ =	shalt  }
0x40: {  	_ =	shalt  }
0x41: {  	_ =	shalt  }
0x42: {  	_ =	shalt  }
0x43: {  	_ =	shalt  }
0x44: {  	_ =	shalt  }
0x45: {  	_ =	shalt  }
0x46: {  	_ =	shalt  }
0x47: {  	_ =	shalt  }
0x48: {  	_ =	shalt  }
0x49: {  	_ =	shalt  }
0x4a: {  	_ =	shalt  }
0x4b: {  	_ =	shalt  }
0x4c: {  	_ =	shalt  }
0x4d: {  	_ =	shalt  }
0x4e: {  	_ =	shalt  }
0x4f: {  	_ =	shalt  }
0x50: {  	_ =	shalt  }
0x51: {  	_ =	shalt  }
0x52: {  	_ =	shalt  }
0x53: {  	_ =	shalt  }
0x54: {  	_ =	shalt  }
0x55: {  	_ =	shalt  }
0x56: {  	_ =	shalt  }
0x57: {  	_ =	shalt  }
0x58: {  	_ =	shalt  }
0x59: {  	_ =	shalt  }
0x5a: {  	_ =	shalt  }
0x5b: {  	_ =	shalt  }
0x5c: {  	_ =	shalt  }
0x5d: {  	_ =	shalt  }
0x5e: {  	_ =	shalt  }
0x5f: {  	_ =	shalt  }
0x60: {  	_ =	shalt  }
0x61: {  	_ =	shalt  }
0x62: {  	_ =	shalt  }
0x63: {  	_ =	shalt  }
0x64: {  	_ =	shalt  }
0x65: {  	_ =	shalt  }
0x66: {  	_ =	shalt  }
0x67: {  	_ =	shalt  }
0x68: {  	_ =	shalt  }
0x69: {  	_ =	shalt  }
0x6a: {  	_ =	shalt  }
0x6b: {  	_ =	shalt  }
0x6c: {  	_ =	shalt  }
0x6d: {  	_ =	shalt  }
0x6e: {  	_ =	shalt  }
0x6f: {  	_ =	shalt  }
0x70: {  	_ =	shalt  }
0x71: {  	_ =	shalt  }
0x72: {  	_ =	shalt  }
0x73: {  	_ =	shalt  }
0x74: {  	_ =	shalt  }
0x75: {  	_ =	shalt  }
0x76: {  	_ =	shalt  }
0x77: {  	_ =	shalt  }
0x78: {  	_ =	shalt  }
0x79: {  	_ =	shalt  }
0x7a: {  	_ =	shalt  }
0x7b: {  	_ =	shalt  }
0x7c: {  	_ =	shalt  }
0x7d: {  	_ =	shalt  }
0x7e: {  	_ =	shalt  }
0x7f: {  	_ =	shalt  }
0x80: {  	_ =	shalt  }
0x81: {  	_ =	shalt  }
0x82: {  	_ =	shalt  }
0x83: {  	_ =	shalt  }
0x84: {  	_ =	shalt  }
0x85: {  	_ =	shalt  }
0x86: {  	_ =	shalt  }
0x87: {  	_ =	shalt  }
.Lfunc_end0:
.L_simem_size_0:
called_computation_lowered:
.L_overlay_start_0:
0x88: {  	s2 =	sld [smem:$0x3FD9]  }
0x89: {  	s3 =	sld [smem:$0x3FFE];
	_ =	sdelay $0x1  }
0x8a: {  	s1 =	srdreg.scid  }
0x8b: {  	s0 =	sand.u32 $0x1, s1  }
0x8c: {  	s17 =	sshll.u32 s0, $0xA;
	s2 =	sadd.s32 s3, s2  }
0x8d: {  	s2 =	sadd.s32 s2, s17  }
0x8e: {  	[smem:$0x3FC4] =	sst s2  }
0x8f: {  	_ = 	snop  }
0x90: {  	s2 =	sld [smem:$0x3FC9]  }
0x91: {  	s18 =	sld [smem:$0x3FC8]  }
0x92: {  	s4 =	sld [smem:$0x3FD0];
	(tm) =	ssettm $0x1  }
0x93: {  	s5 =	sld [smem:$0x3FFB];
	_ =	sdelay $0x3  }
0x94: {  	_ =	strace s5  }
0x95: {  	s5 =	sld [smem:$0x3FFC];
	_ =	sdelay $0x3  }
0x96: {  	_ =	strace s5  }
0x97: {  	s5 =	sld [smem:$0x3FFD];
	_ =	sdelay $0x3  }
0x98: {  	_ =	strace s5  }
0x99: {  	_ =	strace $0x8FFFFFFF  }
0x9a: {  	s19 =	sld [smem:$0x3FDB];
	_ =	sdelay $0x1  }
0x9b: {  	s6 =	simm.s32 $_scs_section_size  }
0x9c: {  	s7 =	simm.s32 $_size__tile_overlayer_lowered;
	s8 =	simm.s32 $_tile_overlayer_lowered  }
0x9d: {  	s22 =	simm.s32 $0x1BFF;
	s21 =	sshll.u32 s8, $0x1;
	s5 =	sadd.s32 s6, s19  }
0x9e: {  	s9 =	simm.s32 $0x0;
	s20 =	sshll.u32 s7, $0x1;
	s7 =	sadd.s32 s21, s5  }
0x9f: {  	[timem:s9], [sflag:s22] =	dma.local [hbm:s7], s20  }
0xa0: {  	_ =	swait.ge [sflag:s22], s20  }
0xa1: {  	s6 =	ssub.s32 $0x0, s20;
	[sflag:s22] =	ssyncset.done $0x0  }
0xa2: {  	[sflag:s22] =	ssyncadd.s32 s6;
	_ =	sdelay $0x1  }
0xa3: {  	s23 =	simm.s32 $0x1B8B  }
0xa4: {  	_ =	swait.ge [sflag:s23], $0x1  }
0xa5: {  	[sflag:s23] =	ssyncset.done $0x0  }
0xa6: {  	s25 =	simm.s32 $0x1B8E;
	s24 =	sld [smem:$0x3FFE];
	[sflag:s23] =	ssyncadd.s32 $0xFFFFFFFF  }
0xa7: {  	s26 =	simm.s32 $execute0_lowered;
	[smem:$0x3FD2] =	sst s25  }
0xa8: {  	s7 =	sshll.u32 s26, $0x1;
	_ =	strace $0x80000046;
	[dreg:$0x1] =	wrdreg $0xFFFFFFFF  }
0xa9: {  	s28 =	simm.s32 $_size_execute0_lowered;
	s5 =	sadd.s32 s5, s7;
	[dreg:$0x0] =	wrdreg $0x0  }
0xaa: {  	s7 =	sshll.u32 s28, $0x1;
	[dreg:$0x2] =	wrdreg s5  }
0xab: {  	[dreg:$0x3] =	wrdreg s7  }
0xac: {  	[dreg:$0x4] =	wrdreg $0xC0  }
0xad: {  	_ =	task [dreg:s9], $0x5FFFF  }
0xae: {  	[dreg:$0x1] =	wrdreg $0xFFFFFFFF  }
0xaf: {  	[dreg:$0x0] =	wrdreg $0x60  }
0xb0: {  	[dreg:$0x2] =	wrdreg s2  }
0xb1: {  	[dreg:$0x3] =	wrdreg s18  }
0xb2: {  	[dreg:$0x4] =	wrdreg s24  }
0xb3: {  	[dreg:$0x5] =	wrdreg s4  }
0xb4: {  	[dreg:$0x6] =	wrdreg $0x86000  }
0xb5: {  	[dreg:$0x7] =	wrdreg $0x1C6000  }
0xb6: {  	[dreg:$0x8] =	wrdreg $0x9  }
0xb7: {  	_ =	task.clear_ibuf [dreg:s9], $0x9FFFF;
	_ =	strace $0x90000046  }
0xb8: {  	s29 =	simm.s32 $0x9;
	_ =	strace $0x80000048  }
0xb9: {  	_ =	swait.ge [sflag:s29], $0x1  }
0xba: {  	[sflag:s29] =	ssyncadd.s32 $0xFFFFFFFF  }
0xbb: {  	_ =	strace $0x90000048  }
0xbc: {  	_ =	sfence  }
0xbd: {  	s30 =	sld [smem:$0x0];
	_ =	sdelay $0x2  }
0xbe: {  	s31 =	sshll.u32 s1, $0xD;
	s1 =	sshrl.u32 s1, $0x2  }
0xbf: {  	s3 =	sand.u32 $0x4000, s31;
	s1 =	sadd.s32 s1, s30  }
0xc0: {  	s0 =	sor.u32 s3, s0;
	s1 =	sshll.u32 s1, $0x11  }
0xc1: {  	s0 =	sor.u32 s1, s0  }
0xc2: {  	s0 =	sadd.s32 $0x8F2B, s0  }
0xc3: {  	[sflag:s0] =	ssyncadd.remote.s32 $0x1  }
0xc4: {  	_ =	sfence.sel $0xFFFF  }
0xc5: {  	[dreg:$0x0] =	wrdreg $0xFFFFFFFF;
	(pc) =	sbr.abs _section_cstart, $3  }
0xc6: {  	[dreg:$0x1] =	wrdreg $0xFFFFFFFF  }
0xc7: {  	_ =	task.clear_ibuf [dreg:s9], $0x2FFFF;
	_ =	strace $0x9FFFFFFF  }
0xc8: {  	(tm) =	ssettm $0x7FFFFFFF  }
0xc9: {  	_ =	shalt  }
tec
execute0_lowered:
.L_overlay_start_1:
0x0: {  	(tag) =	ssettag $0x1  }
0x1: {  	s1 =	rddreg [dreg:$0x0]  }
0x2: {  	s0 =	rddreg [dreg:$0x1]  }
0x3: {  	s2 =	rddreg [dreg:$0x2]  }
0x4: {  	s6 =	rddreg [dreg:$0x3]  }
0x5: {  	s3 =	rddreg [dreg:$0x4]  }
0x6: {  	s4 =	rddreg [dreg:$0x5]  }
0x7: {  	s7 =	srdreg.scid;
	s20 =	stileid.u32;
	s5 =	simm.s32 $0x0  }
0x8: {  	s29 =	simm.s32 $0x100;
	s30 =	simm.s32 $0x80;
	s31 =	simm.s32 $0x180  }
0x9: {  	s28 =	simm.s32 $0xC;
	s7 =	sand.u32 $0x1, s7;
	s8 =	sshll.u32 s20, $0x1  }
0xa: {  	[smem:$0x7FF] =	sst s5;
	s2 =	sadd.s32 $0x1200, s2;
	s12 =	smul.u32 $0x280, s20  }
0xb: {  	s13 =	smul.u32 $0x50000, s20;
	p0 =	slt.u32 s20, $0x2;
	s8 =	sor.u32 s7, s8  }
0xc: {  	_ =	strace $0x80000047;
	s10 =	ssub.s32 $0x2, s7;
	s9 =	smul.u32 $0x4E, s8  }
0xd: {  	s11 =	sshrl.u32 s10, $0x1;
	s8 =	smin.u32 s8, $0x4;
	s16 =	sadd.s32 $0x80, s12  }
0xe: {  	s24 =	sshrl.u32 s13, $0x2;
	s26 =	sadd.s32 $0x100, s12;
	s17 =	sadd.s32 $0x180, s12  }
0xf: {  	s14 =	ssub.s32 s10, s11;
	s25 =	sshll.u32 s16, $0x7;
	s11 =	sadd.s32 s24, s3  }
0x10: {  	s19 =	sshll.u32 s26, $0x7;
	s15 =	sadd.s32 s8, s9;
	s18 =	sadd.s32 s25, s3  }
0x11: {  	s9 =	sadd.s32 s19, s3;
	s19 =	smul.u32 $0x2800, s7;
	[dreg:$0x8] =	wrdreg s11  }
0x12: {  	s21 =	sshll.u32 s17, $0x7;
	s7 =	smul.u32 $0x9C0, s7;
	[dreg:$0x9] =	wrdreg s18  }
0x13: {  	[dreg:$0xa] =	wrdreg s9;
	s18 =	sadd.s32 $0x200, s12;
	s9 =	sadd.s32 s21, s3  }
0x14: {  	s21 =	sadd.s32 s12, s4;
	s15 =	sshll.u32 s15, $0x5;
	s22 =	sshll.u32 s18, $0x7  }
0x15: {  	[dreg:$0xd] =	wrdreg s21;
	s12 =	sadd.s32 s12, s19;
	s16 =	sadd.s32 s19, s16  }
0x16: {  	s21 =	sadd.s32 s0, s15;
	s13 =	sadd.s32 s19, s26;
	s25 =	sadd.s32 s19, s17  }
0x17: {  	s26 =	sadd.s32 s19, s18;
	s17 =	smul.u32 $0x1380, s20;
	s20 =	simm.s32 $0x7  }
0x18: {  	[dreg:$0xb] =	wrdreg s9;
	s10 =	sadd.s32 s22, s3;
	s23 =	sshll.u32 s12, $0x4  }
0x19: {  	s16 =	sshll.u32 s16, $0x4;
	s13 =	sshll.u32 s13, $0x4;
	s18 =	sadd.s32 $0x10, s21  }
0x1a: {  	s12 =	sshrl.u32 s12, $0x3;
	s19 =	sadd.s32 $0x20, s21;
	s22 =	sadd.s32 $0x30, s21  }
0x1b: {  	[dreg:$0xe] =	wrdreg s21;
	s15 =	sadd.s32 s2, s23;
	s24 =	sadd.s32 s2, s16  }
0x1c: {  	s13 =	sadd.s32 s2, s13;
	s16 =	sshll.u32 s26, $0x4;
	[dreg:$0x14] =	wrdreg s18  }
0x1d: {  	s6 =	sadd.s32 s6, s12;
	[dreg:$0x16] =	wrdreg s19;
	s0 =	sadd.s32 s17, s0  }
0x1e: {  	[dreg:$0x17] =	wrdreg s22;
	s23 =	sshll.u32 s8, $0x5;
	s26 =	smax.u32 s14, $0x1  }
0x1f: {  	s14 =	simm.s32 $0x6;
	s17 =	simm.s32 $0x200;
	[dreg:$0xc] =	wrdreg s10  }
0x20: {  	s18 =	simm.s32 $0x2;
	s19 =	simm.s32 $0x3;
	[dreg:$0xf] =	wrdreg s15  }
0x21: {  	s22 =	simm.s32 $0x280;
	s12 =	simm.s32 $0x5;
	[dreg:$0x10] =	wrdreg s24  }
0x22: {  	s8 =	simm.s32 $0x0;
	[dreg:$0x11] =	wrdreg s13;
	s15 =	sshll.u32 s25, $0x4  }
0x23: {  	[dreg:$0x15] =	wrdreg s6;
	s0 =	sadd.s32 s7, s0;
	s24 =	sadd.s32 $0x9C0, s21  }
0x24: {  	s25 =	sadd.s32 $0x9D0, s21;
	[dreg:$0x1a] =	wrdreg s26;
	s26 =	simm.s32 $0xF  }
0x25: {  	s6 =	simm.s32 $0x8380;
	s21 =	simm.s32 $0x9;
	[dreg:$0x18] =	wrdreg s24  }
0x26: {  	s13 =	sadd.s32 s2, s15;
	s2 =	sadd.s32 s2, s16;
	[dreg:$0x19] =	wrdreg s25  }
0x27: {  	s0 =	sadd.s32 s23, s0;
	s25 =	simm.s32 $0x300;
	[dreg:$0x12] =	wrdreg s13  }
0x28: {  	s15 =	simm.s32 $0x4300;
	s16 =	simm.s32 $0x8300;
	[dreg:$0x13] =	wrdreg s2  }
0x29: {  	s23 =	simm.s32 $0x8;
	s24 =	simm.s32 $0xB;
	[dreg:$0x7] =	wrdreg s0  }
0x2a: {  	v0 =	vimm.f32 $1.000000000e+00;
	v1 =	vimm.f32 $0.0e+00;
	s2 =	simm.s32 $0x1;
	s13 =	simm.s32 $0x4;
	s0 =	simm.s32 $0xA  }
.LBB2_1:
0x2b: {  	[tilespmem:$0x8300] =	vst v0  }
0x2c: {  	[tilespmem:$0x8310] =	vst v0  }
0x2d: {  	[tilespmem:$0x8320] =	vst v0  }
0x2e: {  	[tilespmem:$0x8330] =	vst v0  }
0x2f: {  	[tilespmem:$0x8340] =	vst v0  }
0x30: {  	[tilespmem:$0x8350] =	vst v0  }
0x31: {  	[tilespmem:$0x8360] =	vst v0  }
0x32: {  	[dreg:$0x1b] =	wrdreg s8;
	[tilespmem:$0x8370] =	vst v0;
	s7 =	simm.s32 $0x0;
	s8 =	simm.s32 $0x200  }
.LBB2_2:
0x33: {  	p1 =	sne.s32 s8, $0xFE00;
	[tilespmem:s7+$0x370] =	vst v1  }
0x34: {  	[tilespmem:s7+$0x300] =	vst v1  }
0x35: {  	[tilespmem:s7+$0x310] =	vst v1  }
.Ltmp0:
0x36: {  	[tilespmem:s7+$0x320] =	vst v1;
	(pc) =	sbr.rel @p1 .LBB2_2-.Ltmp0, $4  }
0x37: {  	[tilespmem:s7+$0x330] =	vst v1  }
0x38: {  	[tilespmem:s7+$0x340] =	vst v1  }
0x39: {  	[tilespmem:s7+$0x350] =	vst v1  }
0x3a: {  	[tilespmem:s7+$0x360] =	vst v1;
	s7 =	sshra.s32 s8, $0x2;
	s8 =	sadd.s32 $0x200, s8  }
0x3b: {  	[tilespmem:s7+$0x370] =	vst v1  }
0x3c: {  	[tilespmem:s7+$0x300] =	vst v1  }
0x3d: {  	[tilespmem:s7+$0x310] =	vst v1  }
0x3e: {  	[tilespmem:s7+$0x320] =	vst v1  }
0x3f: {  	[tilespmem:s7+$0x330] =	vst v1  }
0x40: {  	[tilespmem:s7+$0x340] =	vst v1  }
0x41: {  	[tilespmem:s7+$0x350] =	vst v1  }
0x42: {  	[tilespmem:s7+$0x360] =	vst v1  }
0x43: {  	[tilespmem:$0x8380] =	vst v1  }
0x44: {  	[tilespmem:$0x8390] =	vst v1  }
0x45: {  	[tilespmem:$0x83A0] =	vst v1  }
0x46: {  	[tilespmem:$0x83B0] =	vst v1  }
0x47: {  	[tilespmem:$0x83C0] =	vst v1  }
0x48: {  	[tilespmem:$0x83D0] =	vst v1  }
0x49: {  	[tilespmem:$0x83E0] =	vst v1  }
0x4a: {  	[tilespmem:$0x83F0] =	vst v1  }
0x4b: {  	[tilespmem:$0x8400] =	vst v1  }
0x4c: {  	[tilespmem:$0x8410] =	vst v1  }
0x4d: {  	[tilespmem:$0x8420] =	vst v1  }
0x4e: {  	[tilespmem:$0x8430] =	vst v1  }
0x4f: {  	[tilespmem:$0x8440] =	vst v1  }
0x50: {  	[tilespmem:$0x8450] =	vst v1  }
0x51: {  	[tilespmem:$0x8460] =	vst v1  }
0x52: {  	[tilespmem:$0x8470] =	vst v1  }
0x53: {  	[tilespmem:$0x8480] =	vst v1  }
0x54: {  	[tilespmem:$0x8490] =	vst v1  }
0x55: {  	[tilespmem:$0x84A0] =	vst v1  }
0x56: {  	[tilespmem:$0x84B0] =	vst v1  }
0x57: {  	[tilespmem:$0x84C0] =	vst v1  }
0x58: {  	[tilespmem:$0x84D0] =	vst v1  }
0x59: {  	[tilespmem:$0x84E0] =	vst v1  }
0x5a: {  	[tilespmem:$0x84F0] =	vst v1  }
0x5b: {  	[tilespmem:$0x8500] =	vst v1  }
0x5c: {  	[tilespmem:$0x8510] =	vst v1  }
0x5d: {  	[tilespmem:$0x8520] =	vst v1  }
0x5e: {  	[tilespmem:$0x8530] =	vst v1  }
0x5f: {  	[tilespmem:$0x8540] =	vst v1  }
0x60: {  	[tilespmem:$0x8550] =	vst v1  }
0x61: {  	[tilespmem:$0x8560] =	vst v1  }
0x62: {  	[tilespmem:$0x8570] =	vst v1  }
0x63: {  	[tilespmem:$0x8580] =	vst v1  }
0x64: {  	[tilespmem:$0x8590] =	vst v1  }
0x65: {  	[tilespmem:$0x85A0] =	vst v1  }
0x66: {  	[tilespmem:$0x85B0] =	vst v1  }
0x67: {  	[tilespmem:$0x85C0] =	vst v1  }
0x68: {  	[tilespmem:$0x85D0] =	vst v1  }
0x69: {  	[tilespmem:$0x85E0] =	vst v1  }
0x6a: {  	[tilespmem:$0x85F0] =	vst v1  }
0x6b: {  	[spmem:s11] =	stream.linear.scatter [tilespmem:s25], [sflag:$0xF], $0x4000, $0x38;
	[tilespmem:$0x1C880] =	vst v63  }
0x6c: {  	_ =	swait.ge [sflag:s26], $0x4000  }
0x6d: {  	[sflag:s26] =	ssyncset.done $0x0  }
0x6e: {  	s11 =	rddreg [dreg:$0x9];
	[sflag:s26] =	ssyncadd.s32 $0xFFFFC000  }
0x6f: {  	[spmem:s11] =	stream.linear.scatter [tilespmem:s25], [sflag:$0xF], $0x4000, $0x38;
	[tilespmem:$0x1C880] =	vst v63  }
0x70: {  	_ =	swait.ge [sflag:s26], $0x4000  }
0x71: {  	[sflag:s26] =	ssyncset.done $0x0  }
0x72: {  	s8 =	rddreg [dreg:$0xa];
	[sflag:s26] =	ssyncadd.s32 $0xFFFFC000  }
0x73: {  	[spmem:s8] =	stream.linear.scatter [tilespmem:s25], [sflag:$0xF], $0x4000, $0x38;
	[tilespmem:$0x1C880] =	vst v63  }
0x74: {  	_ =	swait.ge [sflag:s26], $0x4000  }
0x75: {  	[sflag:s26] =	ssyncset.done $0x0  }
0x76: {  	[sflag:s26] =	ssyncadd.s32 $0xFFFFC000  }
0x77: {  	[spmem:s9] =	stream.linear.scatter [tilespmem:s25], [sflag:$0xF], $0x4000, $0x38;
	[tilespmem:$0x1C880] =	vst v63  }
0x78: {  	_ =	swait.ge [sflag:s26], $0x4000  }
0x79: {  	[sflag:s26] =	ssyncset.done $0x0  }
0x7a: {  	[sflag:s26] =	ssyncadd.s32 $0xFFFFC000  }
0x7b: {  	[spmem:s10] =	stream.linear.scatter [tilespmem:s25], [sflag:$0xF], $0x4000, $0x38;
	[tilespmem:$0x1C880] =	vst v63  }
0x7c: {  	_ =	swait.ge [sflag:s26], $0x4000  }
0x7d: {  	[sflag:s26] =	ssyncset.done $0x0  }
0x7e: {  	s10 =	rddreg [dreg:$0xd];
	[sflag:s26] =	ssyncadd.s32 $0xFFFFC000  }
0x7f: {  	[spmem:s10] =	stream.linear.scatter [tilespmem:s6], [sflag:$0xF], $0x280, $0x38;
	[tilespmem:$0x1C880] =	vst v63  }
0x80: {  	_ =	swait.ge [sflag:s26], $0x280  }
0x81: {  	[sflag:s26] =	ssyncset.done $0x0  }
0x82: {  	s7 =	simm.s32 $0x0;
	s8 =	rddreg [dreg:$0xe];
	[sflag:s26] =	ssyncadd.s32 $0xFFFFFD80  }
0x83: {  	[tilespmem:s7], [sflag:$0xF] =	stream.linear.gather [hbm4b:s8+s7], $0x80, $0x38;
	[tilespmem:$0x1C880] =	vst v63  }
0x84: {  	_ =	swait.ge [sflag:s26], $0x80  }
0x85: {  	[sflag:s26] =	ssyncset.done $0x0  }
0x86: {  	s11 =	rddreg [dreg:$0x14];
	[sflag:s26] =	ssyncadd.s32 $0xFFFFFF80  }
0x87: {  	[tilespmem:s29], [sflag:$0xF] =	stream.linear.gather [hbm4b:s11+s7], $0x80, $0x38;
	[tilespmem:$0x1C880] =	vst v63  }
0x88: {  	_ =	swait.ge [sflag:s26], $0x80  }
0x89: {  	[sflag:s26] =	ssyncset.done $0x0  }
0x8a: {  	s6 =	rddreg [dreg:$0x16];
	[sflag:s26] =	ssyncadd.s32 $0xFFFFFF80  }
0x8b: {  	[tilespmem:s30], [sflag:$0x4] =	stream.linear.gather [hbm4b:s6+s7], $0x80, $0x38;
	[tilespmem:$0x1C880] =	vst v63  }
0x8c: {  	s9 =	rddreg [dreg:$0x17]  }
0x8d: {  	[tilespmem:s31], [sflag:$0x6] =	stream.linear.gather [hbm4b:s9+s7], $0x80, $0x38;
	[tilespmem:$0x1C880] =	vst v63  }
0x8e: {  	s10 =	simm.s32 $0x40  }
0x8f: {  	[tilespmem:s25], [sflag:$0x1] =	stream.indirect.gather [hbm4b:s1+s10], $0x80, s7, s10, $0xb8;
	[tilespmem:$0x1C880] =	vst v63  }
0x90: {  	s11 =	simm.s32 $0x2300  }
0x91: {  	[tilespmem:s11], [sflag:$0x1] =	stream.indirect.gather [hbm4b:s1+s10], $0x80, s10, s10, $0xb8;
	[tilespmem:$0x1C880] =	vst v63  }
0x92: {  	[bflag:$0x0] =	sbarrier.arrive $0xFFFF  }
0x93: {  	_ =	swait.ge [sflag:s2], $0x4000  }
0x94: {  	[sflag:s2] =	ssyncset.done $0x0  }
0x95: {  	[sflag:s2] =	ssyncadd.s32 $0xFFFFC000  }
0x96: {  	_ =	swait.ge [sflag:s13], $0x80  }
0x97: {  	[sflag:s13] =	ssyncset.done $0x0  }
0x98: {  	[sflag:s13] =	ssyncadd.s32 $0xFFFFFF80  }
0x99: {  	_ =	swait.ge [sflag:s14], $0x80  }
0x9a: {  	p1 =	por $0x1, $0x1;
	[sflag:s14] =	ssyncset.done $0x0  }
0x9b: {  	s7 =	simm.s32 @!p1 $0xA;
	[sflag:s14] =	ssyncadd.s32 $0xFFFFFF80  }
0x9c: {  	_ =	swait.ge @!p1 [sflag:s7], $0x4000  }
0x9d: {  	[sflag:s7] =	ssyncset.done @!p1 $0x0  }
0x9e: {  	[sflag:s7] =	ssyncadd.s32 @!p1 $0xFFFFC000  }
0x9f: {  	[tilespmem:s15], [sflag:$0x2] =	stream.indirect.gather [hbm4b:s1+s30], $0x80, s30, s30, $0xb8;
	[tilespmem:$0x1C880] =	vst v63  }
0xa0: {  	_ = 	snop  }
0xa1: {  	[spmem:s3] =	stream.indirect.scatter.add.f32 [tilespmem:s25], [sflag:$0x9], $0x80, s29, s30, $0xb8;
	[tilespmem:$0x1C880] =	vst v63  }
0xa2: {  	s7 =	simm.s32 @!p1 $0xD  }
0xa3: {  	[spmem:s4] =	stream.indirect.scatter.add.f32 [tilespmem:s16], [sflag:$0xB], $0x1, s29, s30, $0xb8;
	[tilespmem:$0x1C880] =	vst v63  }
0xa4: {  	_ =	swait.ge @!p1 [sflag:s7], $0x80  }
0xa5: {  	s6 =	rddreg [dreg:$0x7]  }
0xa6: {  	[sflag:s7] =	ssyncset.done @!p1 $0x0;
	s8 =	sadd.s32 $0x0, s6  }
0xa7: {  	[sflag:s7] =	ssyncadd.s32 @!p1 $0xFFFFFF80;
	s9 =	sadd.s32 $0x40, s8  }
0xa8: {  	[tilespmem:s5], [sflag:$0x3] =	stream.linear.gather [hbm4b:s9+s5], $0x80, $0x38;
	[tilespmem:$0x1C880] =	vst v63  }
0xa9: {  	s10 =	sadd.s32 $0x50, s8  }
0xaa: {  	[tilespmem:s17], [sflag:$0x7] =	stream.linear.gather [hbm4b:s10+s5], $0x80, $0x38;
	[tilespmem:$0x1C880] =	vst v63  }
0xab: {  	_ =	swait.ge [sflag:s18], $0x4000  }
0xac: {  	[sflag:s18] =	ssyncset.done $0x0  }
0xad: {  	[sflag:s18] =	ssyncadd.s32 $0xFFFFC000  }
0xae: {  	_ =	swait.ge [sflag:s19], $0x80  }
0xaf: {  	[sflag:s19] =	ssyncset.done $0x0  }
0xb0: {  	[sflag:s19] =	ssyncadd.s32 $0xFFFFFF80  }
0xb1: {  	_ =	swait.ge [sflag:s20], $0x80  }
0xb2: {  	[sflag:s20] =	ssyncset.done $0x0  }
0xb3: {  	[sflag:s20] =	ssyncadd.s32 $0xFFFFFF80  }
0xb4: {  	_ =	swait.ge [sflag:s21], $0x4000  }
0xb5: {  	[sflag:s21] =	ssyncset.done $0x0  }
0xb6: {  	[sflag:s21] =	ssyncadd.s32 $0xFFFFC000  }
0xb7: {  	[tilespmem:s25], [sflag:$0x1] =	stream.indirect.gather [hbm4b:s1+s30], $0x80, s5, s30, $0xb8;
	[tilespmem:$0x1C880] =	vst v63  }
0xb8: {  	_ = 	snop  }
0xb9: {  	[spmem:s3] =	stream.indirect.scatter.add.f32 [tilespmem:s15], [sflag:$0xA], $0x80, s31, s30, $0xb8;
	[tilespmem:$0x1C880] =	vst v63  }
0xba: {  	s7 =	simm.s32 @!p1 $0xE  }
0xbb: {  	[spmem:s4] =	stream.indirect.scatter.add.f32 [tilespmem:s16], [sflag:$0xC], $0x1, s31, s30, $0xb8;
	[tilespmem:$0x1C880] =	vst v63  }
0xbc: {  	_ =	swait.ge @!p1 [sflag:s7], $0x80  }
0xbd: {  	[sflag:s7] =	ssyncset.done @!p1 $0x0  }
0xbe: {  	s11 =	sadd.s32 $0x60, s8;
	[sflag:s7] =	ssyncadd.s32 @!p1 $0xFFFFFF80  }
0xbf: {  	[tilespmem:s30], [sflag:$0x4] =	stream.linear.gather [hbm4b:s11+s5], $0x80, $0x38;
	[tilespmem:$0x1C880] =	vst v63  }
0xc0: {  	s6 =	sadd.s32 $0x70, s8  }
0xc1: {  	[tilespmem:s22], [sflag:$0x8] =	stream.linear.gather [hbm4b:s6+s5], $0x80, $0x38;
	[tilespmem:$0x1C880] =	vst v63  }
0xc2: {  	_ =	swait.ge [sflag:s2], $0x4000  }
0xc3: {  	[sflag:s2] =	ssyncset.done $0x0  }
0xc4: {  	[sflag:s2] =	ssyncadd.s32 $0xFFFFC000  }
0xc5: {  	_ =	swait.ge [sflag:s13], $0x80  }
0xc6: {  	[sflag:s13] =	ssyncset.done $0x0  }
0xc7: {  	[sflag:s13] =	ssyncadd.s32 $0xFFFFFF80  }
0xc8: {  	_ =	swait.ge [sflag:s23], $0x80  }
0xc9: {  	[sflag:s23] =	ssyncset.done $0x0  }
0xca: {  	[sflag:s23] =	ssyncadd.s32 $0xFFFFFF80  }
0xcb: {  	_ =	swait.ge [sflag:s0], $0x4000  }
0xcc: {  	[sflag:s0] =	ssyncset.done $0x0  }
0xcd: {  	[sflag:s0] =	ssyncadd.s32 $0xFFFFC000  }
0xce: {  	[tilespmem:s15], [sflag:$0x2] =	stream.indirect.gather [hbm4b:s1+s30], $0x80, s30, s30, $0xb8;
	[tilespmem:$0x1C880] =	vst v63  }
0xcf: {  	_ = 	snop  }
0xd0: {  	[spmem:s3] =	stream.indirect.scatter.add.f32 [tilespmem:s25], [sflag:$0x9], $0x80, s17, s30, $0xb8;
	[tilespmem:$0x1C880] =	vst v63  }
0xd1: {  	_ = 	snop  }
0xd2: {  	[spmem:s4] =	stream.indirect.scatter.add.f32 [tilespmem:s16], [sflag:$0xD], $0x1, s17, s30, $0xb8;
	[tilespmem:$0x1C880] =	vst v63  }
0xd3: {  	_ =	swait.ge [sflag:s24], $0x80  }
0xd4: {  	[sflag:s24] =	ssyncset.done $0x0  }
0xd5: {  	s9 =	sadd.s32 $0x80, s8;
	[sflag:s24] =	ssyncadd.s32 $0xFFFFFF80  }
0xd6: {  	[tilespmem:s5], [sflag:$0x3] =	stream.linear.gather [hbm4b:s9+s5], $0x80, $0x38;
	[tilespmem:$0x1C880] =	vst v63  }
0xd7: {  	s10 =	sadd.s32 $0x90, s8  }
0xd8: {  	[tilespmem:s29], [sflag:$0x5] =	stream.linear.gather [hbm4b:s10+s5], $0x80, $0x38;
	[tilespmem:$0x1C880] =	vst v63  }
0xd9: {  	_ =	swait.ge [sflag:s18], $0x4000  }
0xda: {  	[sflag:s18] =	ssyncset.done $0x0  }
0xdb: {  	[sflag:s18] =	ssyncadd.s32 $0xFFFFC000  }
0xdc: {  	_ =	swait.ge [sflag:s19], $0x80  }
0xdd: {  	[sflag:s19] =	ssyncset.done $0x0  }
0xde: {  	[sflag:s19] =	ssyncadd.s32 $0xFFFFFF80  }
0xdf: {  	_ =	swait.ge [sflag:s12], $0x80  }
0xe0: {  	[sflag:s12] =	ssyncset.done $0x0  }
0xe1: {  	[sflag:s12] =	ssyncadd.s32 $0xFFFFFF80  }
0xe2: {  	_ =	swait.ge [sflag:s21], $0x4000  }
0xe3: {  	[sflag:s21] =	ssyncset.done $0x0  }
0xe4: {  	[sflag:s21] =	ssyncadd.s32 $0xFFFFC000  }
0xe5: {  	[tilespmem:s25], [sflag:$0x1] =	stream.indirect.gather [hbm4b:s1+s30], $0x80, s5, s30, $0xb8;
	[tilespmem:$0x1C880] =	vst v63  }
0xe6: {  	_ = 	snop  }
0xe7: {  	[spmem:s3] =	stream.indirect.scatter.add.f32 [tilespmem:s15], [sflag:$0xA], $0x80, s22, s30, $0xb8;
	[tilespmem:$0x1C880] =	vst v63  }
0xe8: {  	_ = 	snop  }
0xe9: {  	[spmem:s4] =	stream.indirect.scatter.add.f32 [tilespmem:s16], [sflag:$0xE], $0x1, s22, s30, $0xb8;
	[tilespmem:$0x1C880] =	vst v63  }
0xea: {  	_ =	swait.ge [sflag:s28], $0x80  }
0xeb: {  	s7 =	simm.s32 $0x80;
	[sflag:s28] =	ssyncset.done $0x0  }
0xec: {  	s11 =	sadd.s32 $0xA0, s8;
	s8 =	sadd.s32 $0xB0, s8;
	[sflag:s28] =	ssyncadd.s32 $0xFFFFFF80  }
0xed: {  	[tilespmem:s30], [sflag:$0x4] =	stream.linear.gather [hbm4b:s11+s5], $0x80, $0x38;
	[tilespmem:$0x1C880] =	vst v63  }
.LBB2_4:
0xee: {  	[tilespmem:s31], [sflag:$0x6] =	stream.linear.gather [hbm4b:s8+s5], $0x80, $0x38;
	[tilespmem:$0x1C880] =	vst v63  }
0xef: {  	_ =	swait.ge [sflag:s2], $0x4000  }
0xf0: {  	[sflag:s2] =	ssyncset.done $0x0  }
0xf1: {  	[sflag:s2] =	ssyncadd.s32 $0xFFFFC000  }
0xf2: {  	_ =	swait.ge [sflag:s13], $0x80  }
0xf3: {  	[sflag:s13] =	ssyncset.done $0x0  }
0xf4: {  	[sflag:s13] =	ssyncadd.s32 $0xFFFFFF80  }
0xf5: {  	s6 =	smov.u32 s7;
	_ =	swait.ge [sflag:s14], $0x80  }
0xf6: {  	p2 =	seq.s32 s6, $0x0;
	[sflag:s14] =	ssyncset.done $0x0  }
0xf7: {  	s9 =	simm.s32 @!p2 $0xA;
	[sflag:s14] =	ssyncadd.s32 $0xFFFFFF80  }
0xf8: {  	_ =	swait.ge @!p2 [sflag:s9], $0x4000  }
0xf9: {  	[sflag:s9] =	ssyncset.done @!p2 $0x0  }
0xfa: {  	[sflag:s9] =	ssyncadd.s32 @!p2 $0xFFFFC000  }
0xfb: {  	[tilespmem:s15], [sflag:$0x2] =	stream.indirect.gather [hbm4b:s1+s30], $0x80, s30, s30, $0xb8;
	[tilespmem:$0x1C880] =	vst v63  }
0xfc: {  	_ = 	snop  }
0xfd: {  	[spmem:s3] =	stream.indirect.scatter.add.f32 [tilespmem:s25], [sflag:$0x9], $0x80, s29, s30, $0xb8;
	[tilespmem:$0x1C880] =	vst v63  }
0xfe: {  	s9 =	simm.s32 @!p2 $0xD  }
0xff: {  	[spmem:s4] =	stream.indirect.scatter.add.f32 [tilespmem:s16], [sflag:$0xB], $0x1, s29, s30, $0xb8;
	[tilespmem:$0x1C880] =	vst v63  }
0x100: {  	_ =	swait.ge @!p2 [sflag:s9], $0x80  }
0x101: {  	s10 =	rddreg [dreg:$0x7]  }
0x102: {  	[sflag:s9] =	ssyncset.done @!p2 $0x0;
	s8 =	sadd.s32 s6, s10  }
0x103: {  	[sflag:s9] =	ssyncadd.s32 @!p2 $0xFFFFFF80;
	s11 =	sadd.s32 $0x40, s8  }
0x104: {  	[tilespmem:s5], [sflag:$0x3] =	stream.linear.gather [hbm4b:s11+s5], $0x80, $0x38;
	[tilespmem:$0x1C880] =	vst v63  }
0x105: {  	s6 =	sadd.s32 $0x50, s8  }
0x106: {  	[tilespmem:s17], [sflag:$0x7] =	stream.linear.gather [hbm4b:s6+s5], $0x80, $0x38;
	[tilespmem:$0x1C880] =	vst v63  }
0x107: {  	_ =	swait.ge [sflag:s18], $0x4000  }
0x108: {  	[sflag:s18] =	ssyncset.done $0x0  }
0x109: {  	[sflag:s18] =	ssyncadd.s32 $0xFFFFC000  }
0x10a: {  	_ =	swait.ge [sflag:s19], $0x80  }
0x10b: {  	[sflag:s19] =	ssyncset.done $0x0  }
0x10c: {  	[sflag:s19] =	ssyncadd.s32 $0xFFFFFF80  }
0x10d: {  	_ =	swait.ge [sflag:s20], $0x80  }
0x10e: {  	[sflag:s20] =	ssyncset.done $0x0  }
0x10f: {  	[sflag:s20] =	ssyncadd.s32 $0xFFFFFF80  }
0x110: {  	_ =	swait.ge [sflag:s21], $0x4000  }
0x111: {  	[sflag:s21] =	ssyncset.done $0x0  }
0x112: {  	[sflag:s21] =	ssyncadd.s32 $0xFFFFC000  }
0x113: {  	[tilespmem:s25], [sflag:$0x1] =	stream.indirect.gather [hbm4b:s1+s30], $0x80, s5, s30, $0xb8;
	[tilespmem:$0x1C880] =	vst v63  }
0x114: {  	_ = 	snop  }
0x115: {  	[spmem:s3] =	stream.indirect.scatter.add.f32 [tilespmem:s15], [sflag:$0xA], $0x80, s31, s30, $0xb8;
	[tilespmem:$0x1C880] =	vst v63  }
0x116: {  	s9 =	simm.s32 @!p2 $0xE  }
0x117: {  	[spmem:s4] =	stream.indirect.scatter.add.f32 [tilespmem:s16], [sflag:$0xC], $0x1, s31, s30, $0xb8;
	[tilespmem:$0x1C880] =	vst v63  }
0x118: {  	_ =	swait.ge @!p2 [sflag:s9], $0x80  }
0x119: {  	[sflag:s9] =	ssyncset.done @!p2 $0x0  }
0x11a: {  	s10 =	sadd.s32 $0x60, s8;
	[sflag:s9] =	ssyncadd.s32 @!p2 $0xFFFFFF80  }
0x11b: {  	[tilespmem:s30], [sflag:$0x4] =	stream.linear.gather [hbm4b:s10+s5], $0x80, $0x38;
	[tilespmem:$0x1C880] =	vst v63  }
0x11c: {  	s11 =	sadd.s32 $0x70, s8  }
0x11d: {  	[tilespmem:s22], [sflag:$0x8] =	stream.linear.gather [hbm4b:s11+s5], $0x80, $0x38;
	[tilespmem:$0x1C880] =	vst v63  }
0x11e: {  	_ =	swait.ge [sflag:s2], $0x4000  }
0x11f: {  	[sflag:s2] =	ssyncset.done $0x0  }
0x120: {  	[sflag:s2] =	ssyncadd.s32 $0xFFFFC000  }
0x121: {  	_ =	swait.ge [sflag:s13], $0x80  }
0x122: {  	[sflag:s13] =	ssyncset.done $0x0  }
0x123: {  	[sflag:s13] =	ssyncadd.s32 $0xFFFFFF80  }
0x124: {  	_ =	swait.ge [sflag:s23], $0x80  }
0x125: {  	[sflag:s23] =	ssyncset.done $0x0  }
0x126: {  	[sflag:s23] =	ssyncadd.s32 $0xFFFFFF80  }
0x127: {  	_ =	swait.ge [sflag:s0], $0x4000  }
0x128: {  	[sflag:s0] =	ssyncset.done $0x0  }
0x129: {  	[sflag:s0] =	ssyncadd.s32 $0xFFFFC000  }
0x12a: {  	[tilespmem:s15], [sflag:$0x2] =	stream.indirect.gather [hbm4b:s1+s30], $0x80, s30, s30, $0xb8;
	[tilespmem:$0x1C880] =	vst v63  }
0x12b: {  	_ = 	snop  }
0x12c: {  	[spmem:s3] =	stream.indirect.scatter.add.f32 [tilespmem:s25], [sflag:$0x9], $0x80, s17, s30, $0xb8;
	[tilespmem:$0x1C880] =	vst v63  }
0x12d: {  	_ = 	snop  }
0x12e: {  	[spmem:s4] =	stream.indirect.scatter.add.f32 [tilespmem:s16], [sflag:$0xD], $0x1, s17, s30, $0xb8;
	[tilespmem:$0x1C880] =	vst v63  }
0x12f: {  	_ =	swait.ge [sflag:s24], $0x80  }
0x130: {  	[sflag:s24] =	ssyncset.done $0x0  }
0x131: {  	s6 =	sadd.s32 $0x80, s8;
	[sflag:s24] =	ssyncadd.s32 $0xFFFFFF80  }
0x132: {  	[tilespmem:s5], [sflag:$0x3] =	stream.linear.gather [hbm4b:s6+s5], $0x80, $0x38;
	[tilespmem:$0x1C880] =	vst v63  }
0x133: {  	s10 =	sadd.s32 $0x90, s8  }
0x134: {  	[tilespmem:s29], [sflag:$0x5] =	stream.linear.gather [hbm4b:s10+s5], $0x80, $0x38;
	[tilespmem:$0x1C880] =	vst v63  }
0x135: {  	_ =	swait.ge [sflag:s18], $0x4000  }
0x136: {  	[sflag:s18] =	ssyncset.done $0x0  }
0x137: {  	[sflag:s18] =	ssyncadd.s32 $0xFFFFC000  }
0x138: {  	_ =	swait.ge [sflag:s19], $0x80  }
0x139: {  	[sflag:s19] =	ssyncset.done $0x0  }
0x13a: {  	[sflag:s19] =	ssyncadd.s32 $0xFFFFFF80  }
0x13b: {  	_ =	swait.ge [sflag:s12], $0x80  }
0x13c: {  	[sflag:s12] =	ssyncset.done $0x0  }
0x13d: {  	[sflag:s12] =	ssyncadd.s32 $0xFFFFFF80  }
0x13e: {  	_ =	swait.ge [sflag:s21], $0x4000  }
0x13f: {  	[sflag:s21] =	ssyncset.done $0x0  }
0x140: {  	[sflag:s21] =	ssyncadd.s32 $0xFFFFC000  }
0x141: {  	[tilespmem:s25], [sflag:$0x1] =	stream.indirect.gather [hbm4b:s1+s30], $0x80, s5, s30, $0xb8;
	[tilespmem:$0x1C880] =	vst v63  }
0x142: {  	s7 =	sadd.s32 $0x80, s7  }
0x143: {  	[spmem:s3] =	stream.indirect.scatter.add.f32 [tilespmem:s15], [sflag:$0xA], $0x80, s22, s30, $0xb8;
	[tilespmem:$0x1C880] =	vst v63  }
0x144: {  	p1 =	sne.s32 s7, $0x980  }
0x145: {  	[spmem:s4] =	stream.indirect.scatter.add.f32 [tilespmem:s16], [sflag:$0xE], $0x1, s22, s30, $0xb8;
	[tilespmem:$0x1C880] =	vst v63  }
.Ltmp1:
0x146: {  	_ = 	snop;
	(pc) =	sbr.rel @p1 .LBB2_4-.Ltmp1, $4  }
0x147: {  	_ =	swait.ge [sflag:s28], $0x80  }
0x148: {  	[sflag:s28] =	ssyncset.done $0x0  }
0x149: {  	s11 =	sadd.s32 $0xA0, s8;
	s8 =	sadd.s32 $0xB0, s8;
	[sflag:s28] =	ssyncadd.s32 $0xFFFFFF80  }
0x14a: {  	[tilespmem:s30], [sflag:$0x4] =	stream.linear.gather [hbm4b:s11+s5], $0x80, $0x38;
	[tilespmem:$0x1C880] =	vst v63  }
0x14b: {  	[tilespmem:s31], [sflag:$0x6] =	stream.linear.gather [hbm4b:s8+s5], $0x80, $0x38;
	[tilespmem:$0x1C880] =	vst v63  }
0x14c: {  	_ =	swait.ge [sflag:s2], $0x4000  }
0x14d: {  	[sflag:s2] =	ssyncset.done $0x0  }
0x14e: {  	[sflag:s2] =	ssyncadd.s32 $0xFFFFC000  }
0x14f: {  	_ =	swait.ge [sflag:s13], $0x80  }
0x150: {  	[sflag:s13] =	ssyncset.done $0x0  }
0x151: {  	[sflag:s13] =	ssyncadd.s32 $0xFFFFFF80  }
0x152: {  	_ =	swait.ge [sflag:s14], $0x80  }
0x153: {  	[sflag:s14] =	ssyncset.done $0x0  }
0x154: {  	[sflag:s14] =	ssyncadd.s32 $0xFFFFFF80  }
0x155: {  	_ =	swait.ge [sflag:s0], $0x4000  }
0x156: {  	[sflag:s0] =	ssyncset.done $0x0  }
0x157: {  	[sflag:s0] =	ssyncadd.s32 $0xFFFFC000  }
0x158: {  	[tilespmem:s15], [sflag:$0x2] =	stream.indirect.gather [hbm4b:s1+s30], $0x80, s30, s30, $0xb8;
	[tilespmem:$0x1C880] =	vst v63  }
0x159: {  	_ = 	snop  }
0x15a: {  	[spmem:s3] =	stream.indirect.scatter.add.f32 [tilespmem:s25], [sflag:$0x9], $0x80, s29, s30, $0xb8;
	[tilespmem:$0x1C880] =	vst v63  }
0x15b: {  	s7 =	simm.s32 @p0 $0xD  }
0x15c: {  	[spmem:s4] =	stream.indirect.scatter.add.f32 [tilespmem:s16], [sflag:$0xB], $0x1, s29, s30, $0xb8;
	[tilespmem:$0x1C880] =	vst v63  }
0x15d: {  	_ =	swait.ge @p0 [sflag:s7], $0x80  }
0x15e: {  	[sflag:s7] =	ssyncset.done @p0 $0x0  }
0x15f: {  	s8 =	rddreg [dreg:$0x18];
	[sflag:s7] =	ssyncadd.s32 @p0 $0xFFFFFF80;
	s7 =	simm.s32 @p0 $0x0  }
0x160: {  	[tilespmem:s7], [sflag:$0x3] =	stream.linear.gather @p0 [hbm4b:s8+s7], $0x80, $0x38;
	[tilespmem:$0x1C880] =	vst v63  }
0x161: {  	s9 =	rddreg [dreg:$0x19];
	s8 =	simm.s32 @p0 $0x200  }
0x162: {  	[tilespmem:s8], [sflag:$0x7] =	stream.linear.gather @p0 [hbm4b:s9+s7], $0x80, $0x38;
	[tilespmem:$0x1C880] =	vst v63  }
0x163: {  	s9 =	simm.s32 @p0 $0x2  }
0x164: {  	_ =	swait.ge @p0 [sflag:s9], $0x4000  }
0x165: {  	[sflag:s9] =	ssyncset.done @p0 $0x0  }
0x166: {  	[sflag:s9] =	ssyncadd.s32 @p0 $0xFFFFC000;
	s9 =	simm.s32 @p0 $0x3  }
0x167: {  	_ =	swait.ge @p0 [sflag:s9], $0x80  }
0x168: {  	[sflag:s9] =	ssyncset.done @p0 $0x0  }
0x169: {  	[sflag:s9] =	ssyncadd.s32 @p0 $0xFFFFFF80;
	s9 =	simm.s32 @p0 $0x7  }
0x16a: {  	_ =	swait.ge @p0 [sflag:s9], $0x80  }
0x16b: {  	[sflag:s9] =	ssyncset.done @p0 $0x0  }
0x16c: {  	[sflag:s9] =	ssyncadd.s32 @p0 $0xFFFFFF80;
	s9 =	simm.s32 @p0 $0x9  }
0x16d: {  	_ =	swait.ge @p0 [sflag:s9], $0x4000  }
0x16e: {  	[sflag:s9] =	ssyncset.done @p0 $0x0  }
0x16f: {  	s10 =	simm.s32 @p0 $0x300;
	[sflag:s9] =	ssyncadd.s32 @p0 $0xFFFFC000;
	s9 =	simm.s32 @p0 $0x80  }
0x170: {  	[tilespmem:s10], [sflag:$0x1] =	stream.indirect.gather @p0 [hbm4b:s1+s9], $0x80, s7, s9, $0xb8;
	[tilespmem:$0x1C880] =	vst v63  }
0x171: {  	s11 =	simm.s32 @p0 $0x4300;
	s7 =	simm.s32 @p0 $0x180  }
0x172: {  	[spmem:s3] =	stream.indirect.scatter.add.f32 @p0 [tilespmem:s11], [sflag:$0xA], $0x80, s7, s9, $0xb8;
	[tilespmem:$0x1C880] =	vst v63  }
0x173: {  	s11 =	simm.s32 @p0 $0x8300  }
0x174: {  	[spmem:s4] =	stream.indirect.scatter.add.f32 @p0 [tilespmem:s11], [sflag:$0xC], $0x1, s7, s9, $0xb8;
	[tilespmem:$0x1C880] =	vst v63  }
0x175: {  	s7 =	simm.s32 @p0 $0x1  }
0x176: {  	_ =	swait.ge @p0 [sflag:s7], $0x4000  }
0x177: {  	[sflag:s7] =	ssyncset.done @p0 $0x0  }
0x178: {  	[sflag:s7] =	ssyncadd.s32 @p0 $0xFFFFC000  }
0x179: {  	[spmem:s3] =	stream.indirect.scatter.add.f32 @p0 [tilespmem:s10], [sflag:$0x9], $0x80, s8, s9, $0xb8;
	[tilespmem:$0x1C880] =	vst v63  }
0x17a: {  	s7 =	simm.s32 @!p0 $0x2  }
0x17b: {  	[spmem:s4] =	stream.indirect.scatter.add.f32 @p0 [tilespmem:s11], [sflag:$0xD], $0x1, s8, s9, $0xb8;
	[tilespmem:$0x1C880] =	vst v63  }
0x17c: {  	_ =	swait.ge @!p0 [sflag:s7], $0x4000  }
0x17d: {  	s8 =	simm.s32 @!p0 $0x180;
	[sflag:s7] =	ssyncset.done @!p0 $0x0  }
0x17e: {  	s9 =	simm.s32 @!p0 $0x4300;
	[sflag:s7] =	ssyncadd.s32 @!p0 $0xFFFFC000;
	s7 =	simm.s32 @!p0 $0x80  }
0x17f: {  	[spmem:s3] =	stream.indirect.scatter.add.f32 @!p0 [tilespmem:s9], [sflag:$0xA], $0x80, s8, s7, $0xb8;
	[tilespmem:$0x1C880] =	vst v63  }
0x180: {  	s9 =	simm.s32 @!p0 $0x8300  }
0x181: {  	[spmem:s4] =	stream.indirect.scatter.add.f32 @!p0 [tilespmem:s9], [sflag:$0xC], $0x1, s8, s7, $0xb8;
	[tilespmem:$0x1C880] =	vst v63  }
0x182: {  	_ =	swait.ge [sflag:s21], $0x4000  }
0x183: {  	[sflag:s21] =	ssyncset.done $0x0  }
0x184: {  	[sflag:s21] =	ssyncadd.s32 $0xFFFFC000  }
0x185: {  	_ =	swait.ge [sflag:s0], $0x4000  }
0x186: {  	[sflag:s0] =	ssyncset.done $0x0  }
0x187: {  	[sflag:s0] =	ssyncadd.s32 $0xFFFFC000  }
0x188: {  	_ =	swait.ge [sflag:s24], $0x80  }
0x189: {  	[sflag:s24] =	ssyncset.done $0x0  }
0x18a: {  	[sflag:s24] =	ssyncadd.s32 $0xFFFFFF80  }
0x18b: {  	_ =	swait.ge [sflag:s28], $0x80  }
0x18c: {  	[sflag:s28] =	ssyncset.done $0x0  }
0x18d: {  	s6 =	simm.s32 $0xD;
	[sflag:s28] =	ssyncadd.s32 $0xFFFFFF80  }
0x18e: {  	_ =	swait.ge [sflag:s6], $0x80  }
0x18f: {  	[sflag:s6] =	ssyncset.done $0x0  }
0x190: {  	s9 =	simm.s32 $0xE;
	[sflag:s6] =	ssyncadd.s32 $0xFFFFFF80  }
0x191: {  	_ =	swait.ge [sflag:s9], $0x80  }
0x192: {  	[sflag:s9] =	ssyncset.done $0x0  }
0x193: {  	[sflag:s9] =	ssyncadd.s32 $0xFFFFFF80  }
0x194: {  	[bflag:$0x0] =	sbarrier.arrive $0xFFFF  }
0x195: {  	s11 =	rddreg [dreg:$0x8]  }
0x196: {  	[tilespmem:s25], [sflag:$0xF] =	stream.linear.gather [spmem:s11], $0x4000, $0x38;
	[tilespmem:$0x1C880] =	vst v63  }
0x197: {  	_ =	swait.ge [sflag:s26], $0x4000  }
0x198: {  	[sflag:s26] =	ssyncset.done $0x0  }
0x199: {  	s10 =	rddreg [dreg:$0xf];
	[sflag:s26] =	ssyncadd.s32 $0xFFFFC000  }
0x19a: {  	[hbm4b:s10+s5] =	stream.linear.scatter [tilespmem:s25], [sflag:$0xF], $0x4000, $0x38;
	[tilespmem:$0x1C880] =	vst v63  }
0x19b: {  	_ =	swait.ge [sflag:s26], $0x4000  }
0x19c: {  	[sflag:s26] =	ssyncset.done $0x0  }
0x19d: {  	s6 =	rddreg [dreg:$0x9];
	[sflag:s26] =	ssyncadd.s32 $0xFFFFC000  }
0x19e: {  	[tilespmem:s25], [sflag:$0xF] =	stream.linear.gather [spmem:s6], $0x4000, $0x38;
	[tilespmem:$0x1C880] =	vst v63  }
0x19f: {  	_ =	swait.ge [sflag:s26], $0x4000  }
0x1a0: {  	[sflag:s26] =	ssyncset.done $0x0  }
0x1a1: {  	s8 =	rddreg [dreg:$0x10];
	[sflag:s26] =	ssyncadd.s32 $0xFFFFC000  }
0x1a2: {  	[hbm4b:s8+s5] =	stream.linear.scatter [tilespmem:s25], [sflag:$0xF], $0x4000, $0x38;
	[tilespmem:$0x1C880] =	vst v63  }
0x1a3: {  	_ =	swait.ge [sflag:s26], $0x4000  }
0x1a4: {  	[sflag:s26] =	ssyncset.done $0x0  }
0x1a5: {  	s9 =	rddreg [dreg:$0xa];
	[sflag:s26] =	ssyncadd.s32 $0xFFFFC000  }
0x1a6: {  	[tilespmem:s25], [sflag:$0xF] =	stream.linear.gather [spmem:s9], $0x4000, $0x38;
	[tilespmem:$0x1C880] =	vst v63  }
0x1a7: {  	_ =	swait.ge [sflag:s26], $0x4000  }
0x1a8: {  	[sflag:s26] =	ssyncset.done $0x0  }
0x1a9: {  	s10 =	rddreg [dreg:$0x11];
	[sflag:s26] =	ssyncadd.s32 $0xFFFFC000  }
0x1aa: {  	[hbm4b:s10+s5] =	stream.linear.scatter [tilespmem:s25], [sflag:$0xF], $0x4000, $0x38;
	[tilespmem:$0x1C880] =	vst v63  }
0x1ab: {  	_ =	swait.ge [sflag:s26], $0x4000  }
0x1ac: {  	[sflag:s26] =	ssyncset.done $0x0  }
0x1ad: {  	s9 =	rddreg [dreg:$0xb];
	[sflag:s26] =	ssyncadd.s32 $0xFFFFC000  }
0x1ae: {  	[tilespmem:s25], [sflag:$0xF] =	stream.linear.gather [spmem:s9], $0x4000, $0x38;
	[tilespmem:$0x1C880] =	vst v63  }
0x1af: {  	_ =	swait.ge [sflag:s26], $0x4000  }
0x1b0: {  	[sflag:s26] =	ssyncset.done $0x0  }
0x1b1: {  	s6 =	rddreg [dreg:$0x12];
	[sflag:s26] =	ssyncadd.s32 $0xFFFFC000  }
0x1b2: {  	[hbm4b:s6+s5] =	stream.linear.scatter [tilespmem:s25], [sflag:$0xF], $0x4000, $0x38;
	[tilespmem:$0x1C880] =	vst v63  }
0x1b3: {  	_ =	swait.ge [sflag:s26], $0x4000  }
0x1b4: {  	[sflag:s26] =	ssyncset.done $0x0  }
0x1b5: {  	s10 =	rddreg [dreg:$0xc];
	[sflag:s26] =	ssyncadd.s32 $0xFFFFC000  }
0x1b6: {  	[tilespmem:s25], [sflag:$0xF] =	stream.linear.gather [spmem:s10], $0x4000, $0x38;
	[tilespmem:$0x1C880] =	vst v63  }
0x1b7: {  	_ =	swait.ge [sflag:s26], $0x4000  }
0x1b8: {  	[sflag:s26] =	ssyncset.done $0x0  }
0x1b9: {  	s8 =	rddreg [dreg:$0x13];
	[sflag:s26] =	ssyncadd.s32 $0xFFFFC000  }
0x1ba: {  	[hbm4b:s8+s5] =	stream.linear.scatter [tilespmem:s25], [sflag:$0xF], $0x4000, $0x38;
	[tilespmem:$0x1C880] =	vst v63  }
0x1bb: {  	_ =	swait.ge [sflag:s26], $0x4000  }
0x1bc: {  	[sflag:s26] =	ssyncset.done $0x0  }
0x1bd: {  	s8 =	simm.s32 $0x8380;
	s6 =	rddreg [dreg:$0xd];
	[sflag:s26] =	ssyncadd.s32 $0xFFFFC000  }
0x1be: {  	[tilespmem:s8], [sflag:$0xF] =	stream.linear.gather [spmem:s6], $0x280, $0x38;
	[tilespmem:$0x1C880] =	vst v63  }
0x1bf: {  	_ =	swait.ge [sflag:s26], $0x280  }
0x1c0: {  	[sflag:s26] =	ssyncset.done $0x0  }
0x1c1: {  	s7 =	rddreg [dreg:$0x15];
	[sflag:s26] =	ssyncadd.s32 $0xFFFFFD80  }
0x1c2: {  	[hbm4b:s7+s5] =	stream.linear.scatter [tilespmem:s8], [sflag:$0xF], $0x280, $0x38;
	[tilespmem:$0x1C880] =	vst v63  }
0x1c3: {  	_ =	swait.ge [sflag:s26], $0x280  }
0x1c4: {  	s7 =	rddreg [dreg:$0x1b]  }
0x1c5: {  	s8 =	sadd.s32 $0x1, s7;
	s7 =	rddreg [dreg:$0x1a]  }
0x1c6: {  	p1 =	sne.s32 s8, s7  }
.Ltmp2:
0x1c7: {  	_ = 	snop;
	(pc) =	sbr.rel @p1 .LBB2_1-.Ltmp2, $3  }
0x1c8: {  	_ =	sdelay $0x1  }
0x1c9: {  	[sflag:s26] =	ssyncset.done $0x0  }
0x1ca: {  	s6 =	simm.s32 $0x8380;
	[sflag:s26] =	ssyncadd.s32 $0xFFFFFD80  }
0x1cb: {  	_ =	sfence.sel $0x180000  }
0x1cc: {  	[bflag:$0x0] =	sbarrier.arrive $0xFFFF  }
0x1cd: {  	_ =	strace $0x90000047  }
0x1ce: {  	s0 =	stileid.u32;
	[bflag:$0x2] =	sbarrier.arrive $0xFFFF  }
0x1cf: {  	p0 =	sne.s32 s0, $0x0;
	s0 =	rddreg [dreg:$0x6]  }
0x1d0: {  	s0 =	sadd.s32 @!p0 $0x100000, s0  }
0x1d1: {  	[sflag:s0] =	ssyncadd.tile.s32 @!p0 $0x1;
	_ =	shalt  }
.Lfunc_end2:
_tile_overlayer_lowered:
.L_overlay_start_2:
0x1d2: {  	(tag) =	ssettag $0x2  }
0x1d3: {  	s0 =	rddreg [dreg:$0x0];
	s2 =	stileid.u32  }
0x1d4: {  	s1 =	rddreg [dreg:$0x1];
	p0 =	sne.s32 s2, $0x0  }
0x1d5: {  	s3 =	rddreg [dreg:$0x2];
	[bflag:$0x3] =	sbarrier.arrive $0xFFFF;
	s2 =	simm.s32 @!p0 $0x1C0F  }
0x1d6: {  	[timem:s3], [sflag:s2] =	dma.local @!p0 [hbm:s0], s1  }
0x1d7: {  	s0 =	simm.s32 @!p0 $0xF  }
0x1d8: {  	_ =	swait.ge @!p0 [sflag:s0], s1  }
0x1d9: {  	s1 =	ssub.s32 @!p0 $0x0, s1;
	[sflag:s0] =	ssyncset.done @!p0 $0x0  }
0x1da: {  	[sflag:s0] =	ssyncadd.s32 @!p0 s1  }
0x1db: {  	[bflag:$0x3] =	sbarrier.arrive $0xFFFF  }
0x1dc: {  	_ =	shalt  }

</sc_bundles>
